<compile_context>
chip_gen: v7x
topology: tpu7x:2x2x1
jax: 0.10.2.dev20260603
libtpu: 0.0.44.dev20260713+nightly
codegen_flags: <defaults>
</compile_context>

<pallas_src>
import functools
import math

import jax
import jax.numpy as jnp
from jax import lax
from jax.experimental import pallas as pl
from jax.experimental.pallas import tpu as pltpu
from jax.experimental.pallas import tpu_sc as plsc

_NC = 2
_NS = 16
_NW = _NC * _NS
_CHUNK = 128
_LAG = 48


def _sc_gather_t(emb_t, fc_flat, sx_t, xoff_t):
    fd, v = emb_t.shape
    f, cb, _ = sx_t.shape
    b = cb * _CHUNK
    d = fd // f
    rows_per_tile = fd // _NW
    fc_per_tile = (f * cb) // _NW

    mesh = plsc.VectorSubcoreMesh(core_axis_name="c", subcore_axis_name="s")

    @functools.partial(
        pl.kernel,
        mesh=mesh,
        out_type=[
            jax.ShapeDtypeStruct((fd, b), jnp.float32),
            jax.ShapeDtypeStruct((f * cb, _CHUNK), jnp.float32),
        ],
        scratch_types=[
            pltpu.VMEM((2, cb, _CHUNK), jnp.int32),
            pltpu.VMEM((fc_per_tile, _CHUNK), jnp.int32),
            pltpu.VMEM((rows_per_tile, b), jnp.float32),
            pltpu.VMEM((fc_per_tile, _CHUNK), jnp.float32),
            pltpu.SemaphoreType.DMA,
            pltpu.SemaphoreType.DMA,
            pltpu.SemaphoreType.DMA,
        ],
        compiler_params=pltpu.CompilerParams(use_tc_tiling_on_sc=False),
    )
    def sc_kernel(emb_hbm, fc_hbm, sx_hbm, xoff_hbm, et_out, fcv_out,
                  idx_v, fcx_v, rows_v, fcv_v, sem, sem2, fsem):
        wid = lax.axis_index("s") * _NC + lax.axis_index("c")
        row0 = wid * rows_per_tile
        f_lo = jnp.minimum(row0 // d, f - 2)
        pltpu.sync_copy(sx_hbm.at[pl.ds(f_lo, 2)], idx_v)
        pltpu.sync_copy(xoff_hbm.at[pl.ds(wid * fc_per_tile, fc_per_tile)],
                        fcx_v)

        n_emb = rows_per_tile * cb

        def emb_copy(n, s):
            r = n // cb
            ck = n % cb
            f_rel = (row0 + r) // d - f_lo
            return pltpu.make_async_copy(
                emb_hbm.at[row0 + r].at[idx_v.at[f_rel, ck]],
                rows_v.at[r, pl.ds(ck * _CHUNK, _CHUNK)], s)

        def emb_body(m, carry):
            emb_copy(2 * m, sem).start()
            emb_copy(2 * m + 1, sem2).start()

            @pl.when(2 * m >= _LAG)
            def _():
                emb_copy(2 * m - _LAG, sem).wait()
                emb_copy(2 * m + 1 - _LAG, sem2).wait()

            return carry

        lax.fori_loop(0, n_emb // 2, emb_body, 0)

        def drain_body(n, carry):
            emb_copy(n_emb - _LAG + 2 * n, sem).wait()
            emb_copy(n_emb - _LAG + 2 * n + 1, sem2).wait()
            return carry

        lax.fori_loop(0, _LAG // 2, drain_body, 0)

        def fc_copy(j):
            return pltpu.make_async_copy(
                fc_hbm.at[0].at[fcx_v.at[j]], fcv_v.at[j], fsem)

        def fc_body(j, carry):
            fc_copy(j).start()

            @pl.when(j >= 4)
            def _():
                fc_copy(j - 4).wait()

            return carry

        lax.fori_loop(0, fc_per_tile, fc_body, 0)

        def fc_drain(j, carry):
            fc_copy(fc_per_tile - 4 + j).wait()
            return carry

        lax.fori_loop(0, 4, fc_drain, 0)

        pltpu.sync_copy(rows_v, et_out.at[pl.ds(row0, rows_per_tile)])
        pltpu.sync_copy(fcv_v,
                        fcv_out.at[pl.ds(wid * fc_per_tile, fc_per_tile)])

    return sc_kernel(emb_t, fc_flat, sx_t, xoff_t)


def _tc_forward_t(e_t, dx_t, fcv_t, bias11,
                  W1, b1, g1, be1, W2, b2, g2, be2, W3, b3, g3, be3, Wo, bo11,
                  eps):
    fd, b_total = e_t.shape
    nd = dx_t.shape[0]
    f = fcv_t.shape[0]
    d = fd // f
    d_in = fd + nd
    inv = 1.0 / math.sqrt(1.0 + eps)
    bB = 1024
    grid = (b_total // bB,)

    dot0 = functools.partial(
        lax.dot_general,
        dimension_numbers=(((0,), (0,)), ((), ())),
        preferred_element_type=jnp.float32)

    def body(e_ref, dx_ref, fcv_ref, bias_ref,
             w1_ref, b1_ref, g1_ref, be1_ref,
             w2_ref, b2_ref, g2_ref, be2_ref,
             w3_ref, b3_ref, g3_ref, be3_ref,
             wo_ref, bo_ref, out_ref):
        e = e_ref[...]
        r = lax.broadcasted_iota(jnp.int32, (fd, d), 0) % d
        c = lax.broadcasted_iota(jnp.int32, (fd, d), 1)
        sel = (r == c).astype(jnp.float32)
        s = dot0(sel, e)
        ss = dot0(sel, e * e)
        fm = 0.5 * jnp.sum(s * s - ss, axis=0, keepdims=True)
        lin = jnp.sum(fcv_ref[...], axis=0, keepdims=True) + bias_ref[0, 0]
        h = (dot0(w1_ref[:fd, :], e)
             + dot0(w1_ref[fd:d_in, :], dx_ref[...])
             + b1_ref[...])
        h = jnp.maximum(h * (g1_ref[...] * inv) + be1_ref[...], 0.0)
        h = dot0(w2_ref[...], h) + b2_ref[...]
        h = jnp.maximum(h * (g2_ref[...] * inv) + be2_ref[...], 0.0)
        h = dot0(w3_ref[...], h) + b3_ref[...]
        h = jnp.maximum(h * (g3_ref[...] * inv) + be3_ref[...], 0.0)
        deep = dot0(wo_ref[...], h) + bo_ref[0, 0]
        y = lin + fm + deep
        out_ref[...] = 1.0 / (1.0 + jnp.exp(-y))

    full = lambda a: pl.BlockSpec(a.shape, lambda i: (0,) * a.ndim)
    out = pl.pallas_call(
        body,
        grid=grid,
        in_specs=[
            pl.BlockSpec((fd, bB), lambda i: (0, i)),
            pl.BlockSpec((nd, bB), lambda i: (0, i)),
            pl.BlockSpec((f, bB), lambda i: (0, i)),
            full(bias11),
            full(W1), full(b1), full(g1), full(be1),
            full(W2), full(b2), full(g2), full(be2),
            full(W3), full(b3), full(g3), full(be3),
            full(Wo), full(bo11),
        ],
        out_specs=pl.BlockSpec((1, bB), lambda i: (0, i)),
        out_shape=jax.ShapeDtypeStruct((1, b_total), jnp.float32),
    )(e_t, dx_t, fcv_t, bias11,
      W1, b1, g1, be1, W2, b2, g2, be2, W3, b3, g3, be3, Wo, bo11)
    return out.reshape(b_total)


def kernel(sparse_x, dense_x, emb, fc_w, bias,
           W1, b1, g1, be1, W2, b2, g2, be2, W3, b3, g3, be3, Wo, bo):
    b, f = sparse_x.shape
    _, v, d = emb.shape
    cb = b // _CHUNK

    emb_t = emb.transpose(0, 2, 1).reshape(f * d, v)
    fc_flat = fc_w.reshape(1, f * v)
    sx_t = sparse_x.T.astype(jnp.int32)
    offs = (jnp.arange(f, dtype=jnp.int32) * v)[:, None]
    xoff_t = (sx_t + offs).reshape(f * cb, _CHUNK)
    sx_t3 = sx_t.reshape(f, cb, _CHUNK)

    e_t, fcv = _sc_gather_t(emb_t, fc_flat, sx_t3, xoff_t)

    fcv_t = fcv.reshape(f, b)
    dx_t = dense_x.T
    col = lambda a: a.reshape(-1, 1)
    out = _tc_forward_t(e_t, dx_t, fcv_t, bias.reshape(1, 1),
                        W1, col(b1), col(g1), col(be1),
                        W2, col(b2), col(g2), col(be2),
                        W3, col(b3), col(g3), col(be3),
                        Wo, bo.reshape(1, 1), 1e-5)
    return out

# --- scband reference (transcript-rebuilt; emitter-appended) ---
"""Pipeline reference for scband-deep-fm-82042465288600 (READ-ONLY COPY).

The authoritative reference and input builder live on the scoring server;
editing this copy changes nothing except your own understanding.
"""

import jax, jax.numpy as jnp
import numpy as np

F = 26      # n sparse fields
V = 100000  # vocab per field
D = 32      # embed_dim
B = 4096    # batch
ND = 13     # num dense features
MLP_DIMS = [256, 128, 64]
EPS = 1e-5


def setup_inputs(seed: int = 0) -> dict:
    key = jax.random.key(seed)
    ks = jax.random.split(key, 24)
    inp = {}
    inp['sparse_x'] = jax.random.randint(ks[0], (B, F), 0, V, dtype=jnp.int64) if jax.config.jax_enable_x64 else jax.random.randint(ks[0], (B, F), 0, V, dtype=jnp.int32)
    inp['dense_x'] = jax.random.normal(ks[1], (B, ND), dtype=jnp.float32)
    # embedding tables: one per field, stacked (all fields same vocab) -> [F, V, D]
    bound = float(np.sqrt(6.0 / (V + D)))  # xavier_uniform
    inp['emb'] = jax.random.uniform(ks[2], (F, V, D), dtype=jnp.float32, minval=-bound, maxval=bound)
    # FM first-order weights over concatenated vocab
    inp['fc_w'] = jax.random.normal(ks[3], (F * V, 1), dtype=jnp.float32) * 0.01
    inp['bias'] = jnp.zeros((1,), dtype=jnp.float32)
    # MLP params: Linear + BatchNorm (eval: running_mean=0, running_var=1) per hidden layer
    d_in = F * D + ND
    dims = [d_in] + MLP_DIMS
    ki = 4
    for li in range(len(MLP_DIMS)):
        fan_in, fan_out = dims[li], dims[li + 1]
        lim = float(np.sqrt(1.0 / fan_in))
        inp[f'W{li+1}'] = jax.random.uniform(ks[ki], (fan_in, fan_out), dtype=jnp.float32, minval=-lim, maxval=lim); ki += 1
        inp[f'b{li+1}'] = jax.random.uniform(ks[ki], (fan_out,), dtype=jnp.float32, minval=-lim, maxval=lim); ki += 1
        inp[f'g{li+1}'] = jnp.ones((fan_out,), dtype=jnp.float32)
        inp[f'be{li+1}'] = jnp.zeros((fan_out,), dtype=jnp.float32)
    lim = float(np.sqrt(1.0 / MLP_DIMS[-1]))
    inp['Wo'] = jax.random.uniform(ks[ki], (MLP_DIMS[-1], 1), dtype=jnp.float32, minval=-lim, maxval=lim); ki += 1
    inp['bo'] = jax.random.uniform(ks[ki], (1,), dtype=jnp.float32, minval=-lim, maxval=lim)
    return inp


def reference(sparse_x, dense_x, emb, fc_w, bias,
              W1, b1, g1, be1, W2, b2, g2, be2, W3, b3, g3, be3, Wo, bo):
    # FeaturesEmbedding: per-field gather -> [B, F, D]
    embed_x = jnp.stack([jnp.take(emb[i], sparse_x[:, i], axis=0) for i in range(F)], axis=1)
    # FeaturesLinear: offsets + gather + sum over fields
    offsets = (jnp.arange(F) * V).astype(sparse_x.dtype)
    x_off = sparse_x + offsets[None, :]
    linear_y = jnp.sum(jnp.take(fc_w, x_off, axis=0), axis=1) + bias  # [B, 1]
    # FactorizationMachine (second order)
    square_of_sum = jnp.sum(embed_x, axis=1) ** 2
    sum_of_square = jnp.sum(embed_x ** 2, axis=1)
    fm_y = jnp.sum(square_of_sum - sum_of_square, axis=1, keepdims=True) * 0.5  # [B, 1]
    # Deep part (BatchNorm in eval mode: running_mean=0, running_var=1; dropout off)
    h = jnp.concatenate([embed_x.reshape(embed_x.shape[0], -1), dense_x], axis=1)
    for W, b, g, be in ((W1, b1, g1, be1), (W2, b2, g2, be2), (W3, b3, g3, be3)):
        h = h @ W + b
        h = (h / jnp.sqrt(1.0 + EPS)) * g + be
        h = jax.nn.relu(h)
    deep_y = h @ Wo + bo  # [B, 1]
    y = linear_y + fm_y + deep_y
    return jax.nn.sigmoid(jnp.squeeze(y, axis=1))

if __name__ == "__main__":
    import jax
    _d = setup_inputs()
    print(jax.jit(kernel)(*tuple(_d.values())))

</pallas_src>

<mosaic_0001>
#map = affine_map<(d0, d1) -> (0, 0)>
#map1 = affine_map<(d0, d1) -> (0, 0, 0)>
module attributes {stable_mosaic.version = 14 : i64} {
  func.func @sc_kernel(%arg0: i32, %arg1: i32, %arg2: memref<832x100000xf32, #tpu.memory_space<hbm>>, %arg3: memref<1x2600000xf32, #tpu.memory_space<hbm>>, %arg4: memref<26x32x128xi32, #tpu.memory_space<hbm>>, %arg5: memref<832x128xi32, #tpu.memory_space<hbm>>, %arg6: memref<832x4096xf32, #tpu.memory_space<hbm>>, %arg7: memref<832x128xf32, #tpu.memory_space<hbm>>, %arg8: memref<2x32x128xi32, #tpu.memory_space<vmem>>, %arg9: memref<26x128xi32, #tpu.memory_space<vmem>>, %arg10: memref<26x4096xf32, #tpu.memory_space<vmem>>, %arg11: memref<26x128xf32, #tpu.memory_space<vmem>>, %arg12: memref<!tpu.dma_semaphore, #tpu.memory_space<semaphore_mem>>, %arg13: memref<!tpu.dma_semaphore, #tpu.memory_space<semaphore_mem>>, %arg14: memref<!tpu.dma_semaphore, #tpu.memory_space<semaphore_mem>>) attributes {dimension_semantics = [#tpu.dimension_semantics<core_parallel>, #tpu.dimension_semantics<subcore_parallel>], iteration_bounds = array<i64: 2, 16>, scalar_prefetch = 0 : i64, scratch_operands = 7 : i64, tpu.core_type = #tpu.core_type<sc_vector_subcore>, window_params = [{transform_indices = #map}, {transform_indices = #map}, {transform_indices = #map1}, {transform_indices = #map}, {transform_indices = #map}, {transform_indices = #map}]} {
    %mul3A = arith.constant 2 : i32
    %mul3A_0 = arith.muli %arg1, %mul3A : i32
    %add3A = arith.addi %mul3A_0, %arg0 : i32
    %mul3A_1 = arith.constant 26 : i32
    %mul3A_2 = arith.muli %add3A, %mul3A_1 : i32
    %jit3A = arith.constant 32 : i32
    %div3A = arith.divsi %mul3A_2, %jit3A : i32
    %sign3A = arith.constant 0 : i32
    %sign3A_3 = arith.cmpi sgt, %mul3A_2, %sign3A : i32
    %sign3A_4 = arith.extui %sign3A_3 : i1 to i32
    %sign3A_5 = arith.constant 0 : i32
    %sign3A_6 = arith.cmpi slt, %mul3A_2, %sign3A_5 : i32
    %sign3A_7 = arith.extui %sign3A_6 : i1 to i32
    %sign3A_8 = arith.subi %sign3A_4, %sign3A_7 : i32
    %sign3A_9 = arith.constant 0 : i32
    %sign3A_10 = arith.cmpi sgt, %jit3A, %sign3A_9 : i32
    %sign3A_11 = arith.extui %sign3A_10 : i1 to i32
    %sign3A_12 = arith.constant 0 : i32
    %sign3A_13 = arith.cmpi slt, %jit3A, %sign3A_12 : i32
    %sign3A_14 = arith.extui %sign3A_13 : i1 to i32
    %sign3A_15 = arith.subi %sign3A_11, %sign3A_14 : i32
    %ne3A = arith.cmpi ne, %sign3A_8, %sign3A_15 : i32
    %rem3A = arith.remsi %mul3A_2, %jit3A : i32
    %ne3A_16 = arith.constant 0 : i32
    %ne3A_17 = arith.cmpi ne, %rem3A, %ne3A_16 : i32
    %and3A = arith.andi %ne3A, %ne3A_17 : i1
    %sub3A = arith.constant 1 : i32
    %sub3A_18 = arith.subi %div3A, %sub3A : i32
    %select_n3A = arith.select %and3A, %sub3A_18, %div3A : i32
    %min3A = arith.constant 24 : i32
    %min3A_19 = arith.minsi %select_n3A, %min3A : i32
    "tpu.region"() ({
      %run_scoped3A = tpu.sem_alloc : memref<!tpu.dma_semaphore, #tpu.memory_space<semaphore_mem>>
      %dma_start3A = arith.constant 0 : i32
      %dma_start3A_47 = arith.constant 0 : i32
      %dma_start3A_48 = tpu.memref_slice %arg4[%min3A_19, %dma_start3A, %dma_start3A_47] : memref<26x32x128xi32, #tpu.memory_space<hbm>> -> memref<2x32x128xi32, #tpu.memory_space<hbm>>
      %dma_start3A_49 = arith.constant 0 : i32
      %dma_start3A_50 = arith.constant 0 : i32
      %dma_start3A_51 = tpu.memref_slice %arg4[%min3A_19, %dma_start3A_49, %dma_start3A_50] : memref<26x32x128xi32, #tpu.memory_space<hbm>> -> memref<2x32x128xi32, #tpu.memory_space<hbm>>
      tpu.enqueue_dma source(%dma_start3A_51 : memref<2x32x128xi32, #tpu.memory_space<hbm>>) target(%arg8 : memref<2x32x128xi32, #tpu.memory_space<vmem>>) target_semaphore(%run_scoped3A : memref<!tpu.dma_semaphore, #tpu.memory_space<semaphore_mem>>)
      %dma_wait3A = arith.constant 0 : i32
      %dma_wait3A_52 = arith.constant 0 : i32
      %dma_wait3A_53 = tpu.memref_slice %arg4[%min3A_19, %dma_wait3A, %dma_wait3A_52] : memref<26x32x128xi32, #tpu.memory_space<hbm>> -> memref<2x32x128xi32, #tpu.memory_space<hbm>>
      %dma_wait3A_54 = arith.constant 0 : i32
      %dma_wait3A_55 = arith.constant 0 : i32
      %dma_wait3A_56 = tpu.memref_slice %arg4[%min3A_19, %dma_wait3A_54, %dma_wait3A_55] : memref<26x32x128xi32, #tpu.memory_space<hbm>> -> memref<2x32x128xi32, #tpu.memory_space<hbm>>
      tpu.wait_dma2 semaphore(%run_scoped3A : memref<!tpu.dma_semaphore, #tpu.memory_space<semaphore_mem>>) src(%dma_wait3A_56 : memref<2x32x128xi32, #tpu.memory_space<hbm>>) dst(%arg8 : memref<2x32x128xi32, #tpu.memory_space<vmem>>)
      tpu.yield
    }) : () -> ()
    %mul3A_20 = arith.constant 26 : i32
    %mul3A_21 = arith.muli %add3A, %mul3A_20 : i32
    "tpu.region"() ({
      %run_scoped3A = tpu.sem_alloc : memref<!tpu.dma_semaphore, #tpu.memory_space<semaphore_mem>>
      %dma_start3A = arith.constant 0 : i32
      %dma_start3A_47 = tpu.memref_slice %arg5[%mul3A_21, %dma_start3A] : memref<832x128xi32, #tpu.memory_space<hbm>> -> memref<26x128xi32, #tpu.memory_space<hbm>>
      %dma_start3A_48 = arith.constant 0 : i32
      %dma_start3A_49 = tpu.memref_slice %arg5[%mul3A_21, %dma_start3A_48] : memref<832x128xi32, #tpu.memory_space<hbm>> -> memref<26x128xi32, #tpu.memory_space<hbm>>
      tpu.enqueue_dma source(%dma_start3A_49 : memref<26x128xi32, #tpu.memory_space<hbm>>) target(%arg9 : memref<26x128xi32, #tpu.memory_space<vmem>>) target_semaphore(%run_scoped3A : memref<!tpu.dma_semaphore, #tpu.memory_space<semaphore_mem>>)
      %dma_wait3A = arith.constant 0 : i32
      %dma_wait3A_50 = tpu.memref_slice %arg5[%mul3A_21, %dma_wait3A] : memref<832x128xi32, #tpu.memory_space<hbm>> -> memref<26x128xi32, #tpu.memory_space<hbm>>
      %dma_wait3A_51 = arith.constant 0 : i32
      %dma_wait3A_52 = tpu.memref_slice %arg5[%mul3A_21, %dma_wait3A_51] : memref<832x128xi32, #tpu.memory_space<hbm>> -> memref<26x128xi32, #tpu.memory_space<hbm>>
      tpu.wait_dma2 semaphore(%run_scoped3A : memref<!tpu.dma_semaphore, #tpu.memory_space<semaphore_mem>>) src(%dma_wait3A_52 : memref<26x128xi32, #tpu.memory_space<hbm>>) dst(%arg9 : memref<26x128xi32, #tpu.memory_space<vmem>>)
      tpu.yield
    }) : () -> ()
    %scan3A = arith.constant 0 : i32
    %scan3A_22 = arith.constant 0 : i32
    %scan3A_23 = arith.constant 416 : i32
    %scan3A_24 = arith.addi %scan3A_22, %scan3A_23 : i32
    %scan3A_25 = arith.constant 1 : i32
    scf.for %scan3A_47 = %scan3A_22 to %scan3A_24 step %scan3A_25  : i32 {
      %mul3A_48 = arith.constant 2 : i32
      %mul3A_49 = arith.muli %mul3A_48, %scan3A_47 : i32
      %jit3A_50 = arith.constant 32 : i32
      %div3A_51 = arith.divsi %mul3A_49, %jit3A_50 : i32
      %sign3A_52 = arith.constant 0 : i32
      %sign3A_53 = arith.cmpi sgt, %mul3A_49, %sign3A_52 : i32
      %sign3A_54 = arith.extui %sign3A_53 : i1 to i32
      %sign3A_55 = arith.constant 0 : i32
      %sign3A_56 = arith.cmpi slt, %mul3A_49, %sign3A_55 : i32
      %sign3A_57 = arith.extui %sign3A_56 : i1 to i32
      %sign3A_58 = arith.subi %sign3A_54, %sign3A_57 : i32
      %sign3A_59 = arith.constant 0 : i32
      %sign3A_60 = arith.cmpi sgt, %jit3A_50, %sign3A_59 : i32
      %sign3A_61 = arith.extui %sign3A_60 : i1 to i32
      %sign3A_62 = arith.constant 0 : i32
      %sign3A_63 = arith.cmpi slt, %jit3A_50, %sign3A_62 : i32
      %sign3A_64 = arith.extui %sign3A_63 : i1 to i32
      %sign3A_65 = arith.subi %sign3A_61, %sign3A_64 : i32
      %ne3A_66 = arith.cmpi ne, %sign3A_58, %sign3A_65 : i32
      %rem3A_67 = arith.remsi %mul3A_49, %jit3A_50 : i32
      %ne3A_68 = arith.constant 0 : i32
      %ne3A_69 = arith.cmpi ne, %rem3A_67, %ne3A_68 : i32
      %and3A_70 = arith.andi %ne3A_66, %ne3A_69 : i1
      %sub3A_71 = arith.constant 1 : i32
      %sub3A_72 = arith.subi %div3A_51, %sub3A_71 : i32
      %select_n3A_73 = arith.select %and3A_70, %sub3A_72, %div3A_51 : i32
      %jit3A_74 = arith.constant 32 : i32
      %eq3A = arith.constant 0 : i32
      %eq3A_75 = arith.cmpi eq, %jit3A_74, %eq3A : i32
      %jit3A_76 = arith.constant 1 : i32
      %select_n3A_77 = arith.select %eq3A_75, %jit3A_76, %jit3A_74 : i32
      %rem3A_78 = arith.remsi %mul3A_49, %select_n3A_77 : i32
      %ne3A_79 = arith.constant 0 : i32
      %ne3A_80 = arith.cmpi ne, %rem3A_78, %ne3A_79 : i32
      %lt3A = arith.constant 0 : i32
      %lt3A_81 = arith.cmpi slt, %rem3A_78, %lt3A : i32
      %lt3A_82 = arith.constant 0 : i32
      %lt3A_83 = arith.cmpi slt, %select_n3A_77, %lt3A_82 : i32
      %ne3A_84 = arith.xori %lt3A_81, %lt3A_83 : i1
      %and3A_85 = arith.andi %ne3A_84, %ne3A_80 : i1
      %add3A_86 = arith.addi %rem3A_78, %select_n3A_77 : i32
      %select_n3A_87 = arith.select %and3A_85, %add3A_86, %rem3A_78 : i32
      %add3A_88 = arith.addi %mul3A_2, %select_n3A_73 : i32
      %jit3A_89 = arith.constant 32 : i32
      %div3A_90 = arith.divsi %add3A_88, %jit3A_89 : i32
      %sign3A_91 = arith.constant 0 : i32
      %sign3A_92 = arith.cmpi sgt, %add3A_88, %sign3A_91 : i32
      %sign3A_93 = arith.extui %sign3A_92 : i1 to i32
      %sign3A_94 = arith.constant 0 : i32
      %sign3A_95 = arith.cmpi slt, %add3A_88, %sign3A_94 : i32
      %sign3A_96 = arith.extui %sign3A_95 : i1 to i32
      %sign3A_97 = arith.subi %sign3A_93, %sign3A_96 : i32
      %sign3A_98 = arith.constant 0 : i32
      %sign3A_99 = arith.cmpi sgt, %jit3A_89, %sign3A_98 : i32
      %sign3A_100 = arith.extui %sign3A_99 : i1 to i32
      %sign3A_101 = arith.constant 0 : i32
      %sign3A_102 = arith.cmpi slt, %jit3A_89, %sign3A_101 : i32
      %sign3A_103 = arith.extui %sign3A_102 : i1 to i32
      %sign3A_104 = arith.subi %sign3A_100, %sign3A_103 : i32
      %ne3A_105 = arith.cmpi ne, %sign3A_97, %sign3A_104 : i32
      %rem3A_106 = arith.remsi %add3A_88, %jit3A_89 : i32
      %ne3A_107 = arith.constant 0 : i32
      %ne3A_108 = arith.cmpi ne, %rem3A_106, %ne3A_107 : i32
      %and3A_109 = arith.andi %ne3A_105, %ne3A_108 : i1
      %sub3A_110 = arith.constant 1 : i32
      %sub3A_111 = arith.subi %div3A_90, %sub3A_110 : i32
      %select_n3A_112 = arith.select %and3A_109, %sub3A_111, %div3A_90 : i32
      %sub3A_113 = arith.subi %select_n3A_112, %min3A_19 : i32
      %add3A_114 = arith.addi %mul3A_2, %select_n3A_73 : i32
      %mul3A_115 = arith.constant 128 : i32
      %mul3A_116 = arith.muli %select_n3A_87, %mul3A_115 : i32
      %dma_start3A = tpu.memref_slice %arg10[%select_n3A_73, %mul3A_116] : memref<26x4096xf32, #tpu.memory_space<vmem>> -> memref<1x128xf32, #tpu.memory_space<vmem>>
      %dma_start3A_117 = tpu.memref_squeeze %dma_start3A : memref<1x128xf32, #tpu.memory_space<vmem>> -> memref<128xf32, #tpu.memory_space<vmem>>
      %dma_start3A_118 = arith.constant 0 : i32
      %dma_start3A_119 = tpu.memref_slice %arg8[%sub3A_113, %select_n3A_87, %dma_start3A_118] : memref<2x32x128xi32, #tpu.memory_space<vmem>> -> memref<1x1x128xi32, #tpu.memory_space<vmem>>
      %dma_start3A_120 = tpu.memref_squeeze %dma_start3A_119 : memref<1x1x128xi32, #tpu.memory_space<vmem>> -> memref<128xi32, #tpu.memory_space<vmem>>
      %dma_start3A_121 = arith.constant 0 : i32
      %dma_start3A_122 = tpu.memref_slice %arg2[%add3A_114, %dma_start3A_121] : memref<832x100000xf32, #tpu.memory_space<hbm>> -> memref<1x100000xf32, #tpu.memory_space<hbm>>
      %dma_start3A_123 = tpu.memref_squeeze %dma_start3A_122 : memref<1x100000xf32, #tpu.memory_space<hbm>> -> memref<100000xf32, #tpu.memory_space<hbm>>
      %dma_start3A_124 = arith.constant 0 : i32
      %dma_start3A_125 = tpu.memref_slice %dma_start3A_123[%dma_start3A_124] : memref<100000xf32, #tpu.memory_space<hbm>> -> memref<100000xf32, #tpu.memory_space<hbm>>
      tpu.enqueue_indirect_dma source(%dma_start3A_125 : memref<100000xf32, #tpu.memory_space<hbm>>) target(%dma_start3A_117 : memref<128xf32, #tpu.memory_space<vmem>>) offsets(%dma_start3A_120 : memref<128xi32, #tpu.memory_space<vmem>>) semaphore(%arg12 : memref<!tpu.dma_semaphore, #tpu.memory_space<semaphore_mem>>)
      %mul3A_126 = arith.constant 2 : i32
      %mul3A_127 = arith.muli %mul3A_126, %scan3A_47 : i32
      %add3A_128 = arith.constant 1 : i32
      %add3A_129 = arith.addi %mul3A_127, %add3A_128 : i32
      %jit3A_130 = arith.constant 32 : i32
      %div3A_131 = arith.divsi %add3A_129, %jit3A_130 : i32
      %sign3A_132 = arith.constant 0 : i32
      %sign3A_133 = arith.cmpi sgt, %add3A_129, %sign3A_132 : i32
      %sign3A_134 = arith.extui %sign3A_133 : i1 to i32
      %sign3A_135 = arith.constant 0 : i32
      %sign3A_136 = arith.cmpi slt, %add3A_129, %sign3A_135 : i32
      %sign3A_137 = arith.extui %sign3A_136 : i1 to i32
      %sign3A_138 = arith.subi %sign3A_134, %sign3A_137 : i32
      %sign3A_139 = arith.constant 0 : i32
      %sign3A_140 = arith.cmpi sgt, %jit3A_130, %sign3A_139 : i32
      %sign3A_141 = arith.extui %sign3A_140 : i1 to i32
      %sign3A_142 = arith.constant 0 : i32
      %sign3A_143 = arith.cmpi slt, %jit3A_130, %sign3A_142 : i32
      %sign3A_144 = arith.extui %sign3A_143 : i1 to i32
      %sign3A_145 = arith.subi %sign3A_141, %sign3A_144 : i32
      %ne3A_146 = arith.cmpi ne, %sign3A_138, %sign3A_145 : i32
      %rem3A_147 = arith.remsi %add3A_129, %jit3A_130 : i32
      %ne3A_148 = arith.constant 0 : i32
      %ne3A_149 = arith.cmpi ne, %rem3A_147, %ne3A_148 : i32
      %and3A_150 = arith.andi %ne3A_146, %ne3A_149 : i1
      %sub3A_151 = arith.constant 1 : i32
      %sub3A_152 = arith.subi %div3A_131, %sub3A_151 : i32
      %select_n3A_153 = arith.select %and3A_150, %sub3A_152, %div3A_131 : i32
      %jit3A_154 = arith.constant 32 : i32
      %eq3A_155 = arith.constant 0 : i32
      %eq3A_156 = arith.cmpi eq, %jit3A_154, %eq3A_155 : i32
      %jit3A_157 = arith.constant 1 : i32
      %select_n3A_158 = arith.select %eq3A_156, %jit3A_157, %jit3A_154 : i32
      %rem3A_159 = arith.remsi %add3A_129, %select_n3A_158 : i32
      %ne3A_160 = arith.constant 0 : i32
      %ne3A_161 = arith.cmpi ne, %rem3A_159, %ne3A_160 : i32
      %lt3A_162 = arith.constant 0 : i32
      %lt3A_163 = arith.cmpi slt, %rem3A_159, %lt3A_162 : i32
      %lt3A_164 = arith.constant 0 : i32
      %lt3A_165 = arith.cmpi slt, %select_n3A_158, %lt3A_164 : i32
      %ne3A_166 = arith.xori %lt3A_163, %lt3A_165 : i1
      %and3A_167 = arith.andi %ne3A_166, %ne3A_161 : i1
      %add3A_168 = arith.addi %rem3A_159, %select_n3A_158 : i32
      %select_n3A_169 = arith.select %and3A_167, %add3A_168, %rem3A_159 : i32
      %add3A_170 = arith.addi %mul3A_2, %select_n3A_153 : i32
      %jit3A_171 = arith.constant 32 : i32
      %div3A_172 = arith.divsi %add3A_170, %jit3A_171 : i32
      %sign3A_173 = arith.constant 0 : i32
      %sign3A_174 = arith.cmpi sgt, %add3A_170, %sign3A_173 : i32
      %sign3A_175 = arith.extui %sign3A_174 : i1 to i32
      %sign3A_176 = arith.constant 0 : i32
      %sign3A_177 = arith.cmpi slt, %add3A_170, %sign3A_176 : i32
      %sign3A_178 = arith.extui %sign3A_177 : i1 to i32
      %sign3A_179 = arith.subi %sign3A_175, %sign3A_178 : i32
      %sign3A_180 = arith.constant 0 : i32
      %sign3A_181 = arith.cmpi sgt, %jit3A_171, %sign3A_180 : i32
      %sign3A_182 = arith.extui %sign3A_181 : i1 to i32
      %sign3A_183 = arith.constant 0 : i32
      %sign3A_184 = arith.cmpi slt, %jit3A_171, %sign3A_183 : i32
      %sign3A_185 = arith.extui %sign3A_184 : i1 to i32
      %sign3A_186 = arith.subi %sign3A_182, %sign3A_185 : i32
      %ne3A_187 = arith.cmpi ne, %sign3A_179, %sign3A_186 : i32
      %rem3A_188 = arith.remsi %add3A_170, %jit3A_171 : i32
      %ne3A_189 = arith.constant 0 : i32
      %ne3A_190 = arith.cmpi ne, %rem3A_188, %ne3A_189 : i32
      %and3A_191 = arith.andi %ne3A_187, %ne3A_190 : i1
      %sub3A_192 = arith.constant 1 : i32
      %sub3A_193 = arith.subi %div3A_172, %sub3A_192 : i32
      %select_n3A_194 = arith.select %and3A_191, %sub3A_193, %div3A_172 : i32
      %sub3A_195 = arith.subi %select_n3A_194, %min3A_19 : i32
      %add3A_196 = arith.addi %mul3A_2, %select_n3A_153 : i32
      %mul3A_197 = arith.constant 128 : i32
      %mul3A_198 = arith.muli %select_n3A_169, %mul3A_197 : i32
      %dma_start3A_199 = tpu.memref_slice %arg10[%select_n3A_153, %mul3A_198] : memref<26x4096xf32, #tpu.memory_space<vmem>> -> memref<1x128xf32, #tpu.memory_space<vmem>>
      %dma_start3A_200 = tpu.memref_squeeze %dma_start3A_199 : memref<1x128xf32, #tpu.memory_space<vmem>> -> memref<128xf32, #tpu.memory_space<vmem>>
      %dma_start3A_201 = arith.constant 0 : i32
      %dma_start3A_202 = tpu.memref_slice %arg8[%sub3A_195, %select_n3A_169, %dma_start3A_201] : memref<2x32x128xi32, #tpu.memory_space<vmem>> -> memref<1x1x128xi32, #tpu.memory_space<vmem>>
      %dma_start3A_203 = tpu.memref_squeeze %dma_start3A_202 : memref<1x1x128xi32, #tpu.memory_space<vmem>> -> memref<128xi32, #tpu.memory_space<vmem>>
      %dma_start3A_204 = arith.constant 0 : i32
      %dma_start3A_205 = tpu.memref_slice %arg2[%add3A_196, %dma_start3A_204] : memref<832x100000xf32, #tpu.memory_space<hbm>> -> memref<1x100000xf32, #tpu.memory_space<hbm>>
      %dma_start3A_206 = tpu.memref_squeeze %dma_start3A_205 : memref<1x100000xf32, #tpu.memory_space<hbm>> -> memref<100000xf32, #tpu.memory_space<hbm>>
      %dma_start3A_207 = arith.constant 0 : i32
      %dma_start3A_208 = tpu.memref_slice %dma_start3A_206[%dma_start3A_207] : memref<100000xf32, #tpu.memory_space<hbm>> -> memref<100000xf32, #tpu.memory_space<hbm>>
      tpu.enqueue_indirect_dma source(%dma_start3A_208 : memref<100000xf32, #tpu.memory_space<hbm>>) target(%dma_start3A_200 : memref<128xf32, #tpu.memory_space<vmem>>) offsets(%dma_start3A_203 : memref<128xi32, #tpu.memory_space<vmem>>) semaphore(%arg13 : memref<!tpu.dma_semaphore, #tpu.memory_space<semaphore_mem>>)
      %mul3A_209 = arith.constant 2 : i32
      %mul3A_210 = arith.muli %mul3A_209, %scan3A_47 : i32
      %ge3A = arith.constant 48 : i32
      %ge3A_211 = arith.cmpi sge, %mul3A_210, %ge3A : i32
      %convert_element_type3A = arith.extui %ge3A_211 : i1 to i32
      %cond3A = arith.constant 0 : i32
      %cond3A_212 = arith.cmpi ne, %convert_element_type3A, %cond3A : i32
      scf.if %cond3A_212 {
        %mul3A_213 = arith.constant 2 : i32
        %mul3A_214 = arith.muli %mul3A_213, %scan3A_47 : i32
        %sub3A_215 = arith.constant 48 : i32
        %sub3A_216 = arith.subi %mul3A_214, %sub3A_215 : i32
        %jit3A_217 = arith.constant 32 : i32
        %div3A_218 = arith.divsi %sub3A_216, %jit3A_217 : i32
        %sign3A_219 = arith.constant 0 : i32
        %sign3A_220 = arith.cmpi sgt, %sub3A_216, %sign3A_219 : i32
        %sign3A_221 = arith.extui %sign3A_220 : i1 to i32
        %sign3A_222 = arith.constant 0 : i32
        %sign3A_223 = arith.cmpi slt, %sub3A_216, %sign3A_222 : i32
        %sign3A_224 = arith.extui %sign3A_223 : i1 to i32
        %sign3A_225 = arith.subi %sign3A_221, %sign3A_224 : i32
        %sign3A_226 = arith.constant 0 : i32
        %sign3A_227 = arith.cmpi sgt, %jit3A_217, %sign3A_226 : i32
        %sign3A_228 = arith.extui %sign3A_227 : i1 to i32
        %sign3A_229 = arith.constant 0 : i32
        %sign3A_230 = arith.cmpi slt, %jit3A_217, %sign3A_229 : i32
        %sign3A_231 = arith.extui %sign3A_230 : i1 to i32
        %sign3A_232 = arith.subi %sign3A_228, %sign3A_231 : i32
        %ne3A_233 = arith.cmpi ne, %sign3A_225, %sign3A_232 : i32
        %rem3A_234 = arith.remsi %sub3A_216, %jit3A_217 : i32
        %ne3A_235 = arith.constant 0 : i32
        %ne3A_236 = arith.cmpi ne, %rem3A_234, %ne3A_235 : i32
        %and3A_237 = arith.andi %ne3A_233, %ne3A_236 : i1
        %sub3A_238 = arith.constant 1 : i32
        %sub3A_239 = arith.subi %div3A_218, %sub3A_238 : i32
        %select_n3A_240 = arith.select %and3A_237, %sub3A_239, %div3A_218 : i32
        %jit3A_241 = arith.constant 32 : i32
        %eq3A_242 = arith.constant 0 : i32
        %eq3A_243 = arith.cmpi eq, %jit3A_241, %eq3A_242 : i32
        %jit3A_244 = arith.constant 1 : i32
        %select_n3A_245 = arith.select %eq3A_243, %jit3A_244, %jit3A_241 : i32
        %rem3A_246 = arith.remsi %sub3A_216, %select_n3A_245 : i32
        %ne3A_247 = arith.constant 0 : i32
        %ne3A_248 = arith.cmpi ne, %rem3A_246, %ne3A_247 : i32
        %lt3A_249 = arith.constant 0 : i32
        %lt3A_250 = arith.cmpi slt, %rem3A_246, %lt3A_249 : i32
        %lt3A_251 = arith.constant 0 : i32
        %lt3A_252 = arith.cmpi slt, %select_n3A_245, %lt3A_251 : i32
        %ne3A_253 = arith.xori %lt3A_250, %lt3A_252 : i1
        %and3A_254 = arith.andi %ne3A_253, %ne3A_248 : i1
        %add3A_255 = arith.addi %rem3A_246, %select_n3A_245 : i32
        %select_n3A_256 = arith.select %and3A_254, %add3A_255, %rem3A_246 : i32
        %add3A_257 = arith.addi %mul3A_2, %select_n3A_240 : i32
        %jit3A_258 = arith.constant 32 : i32
        %div3A_259 = arith.divsi %add3A_257, %jit3A_258 : i32
        %sign3A_260 = arith.constant 0 : i32
        %sign3A_261 = arith.cmpi sgt, %add3A_257, %sign3A_260 : i32
        %sign3A_262 = arith.extui %sign3A_261 : i1 to i32
        %sign3A_263 = arith.constant 0 : i32
        %sign3A_264 = arith.cmpi slt, %add3A_257, %sign3A_263 : i32
        %sign3A_265 = arith.extui %sign3A_264 : i1 to i32
        %sign3A_266 = arith.subi %sign3A_262, %sign3A_265 : i32
        %sign3A_267 = arith.constant 0 : i32
        %sign3A_268 = arith.cmpi sgt, %jit3A_258, %sign3A_267 : i32
        %sign3A_269 = arith.extui %sign3A_268 : i1 to i32
        %sign3A_270 = arith.constant 0 : i32
        %sign3A_271 = arith.cmpi slt, %jit3A_258, %sign3A_270 : i32
        %sign3A_272 = arith.extui %sign3A_271 : i1 to i32
        %sign3A_273 = arith.subi %sign3A_269, %sign3A_272 : i32
        %ne3A_274 = arith.cmpi ne, %sign3A_266, %sign3A_273 : i32
        %rem3A_275 = arith.remsi %add3A_257, %jit3A_258 : i32
        %ne3A_276 = arith.constant 0 : i32
        %ne3A_277 = arith.cmpi ne, %rem3A_275, %ne3A_276 : i32
        %and3A_278 = arith.andi %ne3A_274, %ne3A_277 : i1
        %sub3A_279 = arith.constant 1 : i32
        %sub3A_280 = arith.subi %div3A_259, %sub3A_279 : i32
        %select_n3A_281 = arith.select %and3A_278, %sub3A_280, %div3A_259 : i32
        %sub3A_282 = arith.subi %select_n3A_281, %min3A_19 : i32
        %add3A_283 = arith.addi %mul3A_2, %select_n3A_240 : i32
        %mul3A_284 = arith.constant 128 : i32
        %mul3A_285 = arith.muli %select_n3A_256, %mul3A_284 : i32
        %dma_wait3A = tpu.memref_slice %arg10[%select_n3A_240, %mul3A_285] : memref<26x4096xf32, #tpu.memory_space<vmem>> -> memref<1x128xf32, #tpu.memory_space<vmem>>
        %dma_wait3A_286 = tpu.memref_squeeze %dma_wait3A : memref<1x128xf32, #tpu.memory_space<vmem>> -> memref<128xf32, #tpu.memory_space<vmem>>
        %dma_wait3A_287 = arith.constant 0 : i32
        %dma_wait3A_288 = tpu.memref_slice %arg8[%sub3A_282, %select_n3A_256, %dma_wait3A_287] : memref<2x32x128xi32, #tpu.memory_space<vmem>> -> memref<1x1x128xi32, #tpu.memory_space<vmem>>
        %dma_wait3A_289 = tpu.memref_squeeze %dma_wait3A_288 : memref<1x1x128xi32, #tpu.memory_space<vmem>> -> memref<128xi32, #tpu.memory_space<vmem>>
        %dma_wait3A_290 = arith.constant 0 : i32
        %dma_wait3A_291 = tpu.memref_slice %arg2[%add3A_283, %dma_wait3A_290] : memref<832x100000xf32, #tpu.memory_space<hbm>> -> memref<1x100000xf32, #tpu.memory_space<hbm>>
        %dma_wait3A_292 = tpu.memref_squeeze %dma_wait3A_291 : memref<1x100000xf32, #tpu.memory_space<hbm>> -> memref<100000xf32, #tpu.memory_space<hbm>>
        %dma_wait3A_293 = arith.constant 0 : i32
        %dma_wait3A_294 = tpu.memref_slice %dma_wait3A_292[%dma_wait3A_293] : memref<100000xf32, #tpu.memory_space<hbm>> -> memref<100000xf32, #tpu.memory_space<hbm>>
        tpu.wait_indirect_dma semaphore(%arg12 : memref<!tpu.dma_semaphore, #tpu.memory_space<semaphore_mem>>) src(%dma_wait3A_294 : memref<100000xf32, #tpu.memory_space<hbm>>) dst(%dma_wait3A_286 : memref<128xf32, #tpu.memory_space<vmem>>)
        %mul3A_295 = arith.constant 2 : i32
        %mul3A_296 = arith.muli %mul3A_295, %scan3A_47 : i32
        %add3A_297 = arith.constant 1 : i32
        %add3A_298 = arith.addi %mul3A_296, %add3A_297 : i32
        %sub3A_299 = arith.constant 48 : i32
        %sub3A_300 = arith.subi %add3A_298, %sub3A_299 : i32
        %jit3A_301 = arith.constant 32 : i32
        %div3A_302 = arith.divsi %sub3A_300, %jit3A_301 : i32
        %sign3A_303 = arith.constant 0 : i32
        %sign3A_304 = arith.cmpi sgt, %sub3A_300, %sign3A_303 : i32
        %sign3A_305 = arith.extui %sign3A_304 : i1 to i32
        %sign3A_306 = arith.constant 0 : i32
        %sign3A_307 = arith.cmpi slt, %sub3A_300, %sign3A_306 : i32
        %sign3A_308 = arith.extui %sign3A_307 : i1 to i32
        %sign3A_309 = arith.subi %sign3A_305, %sign3A_308 : i32
        %sign3A_310 = arith.constant 0 : i32
        %sign3A_311 = arith.cmpi sgt, %jit3A_301, %sign3A_310 : i32
        %sign3A_312 = arith.extui %sign3A_311 : i1 to i32
        %sign3A_313 = arith.constant 0 : i32
        %sign3A_314 = arith.cmpi slt, %jit3A_301, %sign3A_313 : i32
        %sign3A_315 = arith.extui %sign3A_314 : i1 to i32
        %sign3A_316 = arith.subi %sign3A_312, %sign3A_315 : i32
        %ne3A_317 = arith.cmpi ne, %sign3A_309, %sign3A_316 : i32
        %rem3A_318 = arith.remsi %sub3A_300, %jit3A_301 : i32
        %ne3A_319 = arith.constant 0 : i32
        %ne3A_320 = arith.cmpi ne, %rem3A_318, %ne3A_319 : i32
        %and3A_321 = arith.andi %ne3A_317, %ne3A_320 : i1
        %sub3A_322 = arith.constant 1 : i32
        %sub3A_323 = arith.subi %div3A_302, %sub3A_322 : i32
        %select_n3A_324 = arith.select %and3A_321, %sub3A_323, %div3A_302 : i32
        %jit3A_325 = arith.constant 32 : i32
        %eq3A_326 = arith.constant 0 : i32
        %eq3A_327 = arith.cmpi eq, %jit3A_325, %eq3A_326 : i32
        %jit3A_328 = arith.constant 1 : i32
        %select_n3A_329 = arith.select %eq3A_327, %jit3A_328, %jit3A_325 : i32
        %rem3A_330 = arith.remsi %sub3A_300, %select_n3A_329 : i32
        %ne3A_331 = arith.constant 0 : i32
        %ne3A_332 = arith.cmpi ne, %rem3A_330, %ne3A_331 : i32
        %lt3A_333 = arith.constant 0 : i32
        %lt3A_334 = arith.cmpi slt, %rem3A_330, %lt3A_333 : i32
        %lt3A_335 = arith.constant 0 : i32
        %lt3A_336 = arith.cmpi slt, %select_n3A_329, %lt3A_335 : i32
        %ne3A_337 = arith.xori %lt3A_334, %lt3A_336 : i1
        %and3A_338 = arith.andi %ne3A_337, %ne3A_332 : i1
        %add3A_339 = arith.addi %rem3A_330, %select_n3A_329 : i32
        %select_n3A_340 = arith.select %and3A_338, %add3A_339, %rem3A_330 : i32
        %add3A_341 = arith.addi %mul3A_2, %select_n3A_324 : i32
        %jit3A_342 = arith.constant 32 : i32
        %div3A_343 = arith.divsi %add3A_341, %jit3A_342 : i32
        %sign3A_344 = arith.constant 0 : i32
        %sign3A_345 = arith.cmpi sgt, %add3A_341, %sign3A_344 : i32
        %sign3A_346 = arith.extui %sign3A_345 : i1 to i32
        %sign3A_347 = arith.constant 0 : i32
        %sign3A_348 = arith.cmpi slt, %add3A_341, %sign3A_347 : i32
        %sign3A_349 = arith.extui %sign3A_348 : i1 to i32
        %sign3A_350 = arith.subi %sign3A_346, %sign3A_349 : i32
        %sign3A_351 = arith.constant 0 : i32
        %sign3A_352 = arith.cmpi sgt, %jit3A_342, %sign3A_351 : i32
        %sign3A_353 = arith.extui %sign3A_352 : i1 to i32
        %sign3A_354 = arith.constant 0 : i32
        %sign3A_355 = arith.cmpi slt, %jit3A_342, %sign3A_354 : i32
        %sign3A_356 = arith.extui %sign3A_355 : i1 to i32
        %sign3A_357 = arith.subi %sign3A_353, %sign3A_356 : i32
        %ne3A_358 = arith.cmpi ne, %sign3A_350, %sign3A_357 : i32
        %rem3A_359 = arith.remsi %add3A_341, %jit3A_342 : i32
        %ne3A_360 = arith.constant 0 : i32
        %ne3A_361 = arith.cmpi ne, %rem3A_359, %ne3A_360 : i32
        %and3A_362 = arith.andi %ne3A_358, %ne3A_361 : i1
        %sub3A_363 = arith.constant 1 : i32
        %sub3A_364 = arith.subi %div3A_343, %sub3A_363 : i32
        %select_n3A_365 = arith.select %and3A_362, %sub3A_364, %div3A_343 : i32
        %sub3A_366 = arith.subi %select_n3A_365, %min3A_19 : i32
        %add3A_367 = arith.addi %mul3A_2, %select_n3A_324 : i32
        %mul3A_368 = arith.constant 128 : i32
        %mul3A_369 = arith.muli %select_n3A_340, %mul3A_368 : i32
        %dma_wait3A_370 = tpu.memref_slice %arg10[%select_n3A_324, %mul3A_369] : memref<26x4096xf32, #tpu.memory_space<vmem>> -> memref<1x128xf32, #tpu.memory_space<vmem>>
        %dma_wait3A_371 = tpu.memref_squeeze %dma_wait3A_370 : memref<1x128xf32, #tpu.memory_space<vmem>> -> memref<128xf32, #tpu.memory_space<vmem>>
        %dma_wait3A_372 = arith.constant 0 : i32
        %dma_wait3A_373 = tpu.memref_slice %arg8[%sub3A_366, %select_n3A_340, %dma_wait3A_372] : memref<2x32x128xi32, #tpu.memory_space<vmem>> -> memref<1x1x128xi32, #tpu.memory_space<vmem>>
        %dma_wait3A_374 = tpu.memref_squeeze %dma_wait3A_373 : memref<1x1x128xi32, #tpu.memory_space<vmem>> -> memref<128xi32, #tpu.memory_space<vmem>>
        %dma_wait3A_375 = arith.constant 0 : i32
        %dma_wait3A_376 = tpu.memref_slice %arg2[%add3A_367, %dma_wait3A_375] : memref<832x100000xf32, #tpu.memory_space<hbm>> -> memref<1x100000xf32, #tpu.memory_space<hbm>>
        %dma_wait3A_377 = tpu.memref_squeeze %dma_wait3A_376 : memref<1x100000xf32, #tpu.memory_space<hbm>> -> memref<100000xf32, #tpu.memory_space<hbm>>
        %dma_wait3A_378 = arith.constant 0 : i32
        %dma_wait3A_379 = tpu.memref_slice %dma_wait3A_377[%dma_wait3A_378] : memref<100000xf32, #tpu.memory_space<hbm>> -> memref<100000xf32, #tpu.memory_space<hbm>>
        tpu.wait_indirect_dma semaphore(%arg13 : memref<!tpu.dma_semaphore, #tpu.memory_space<semaphore_mem>>) src(%dma_wait3A_379 : memref<100000xf32, #tpu.memory_space<hbm>>) dst(%dma_wait3A_371 : memref<128xf32, #tpu.memory_space<vmem>>)
      } else {
      }
    }
    %scan3A_26 = arith.constant 416 : i32
    %scan3A_27 = arith.constant 0 : i32
    %scan3A_28 = arith.constant 0 : i32
    %scan3A_29 = arith.constant 24 : i32
    %scan3A_30 = arith.addi %scan3A_28, %scan3A_29 : i32
    %scan3A_31 = arith.constant 1 : i32
    scf.for %scan3A_47 = %scan3A_28 to %scan3A_30 step %scan3A_31  : i32 {
      %mul3A_48 = arith.constant 2 : i32
      %mul3A_49 = arith.muli %mul3A_48, %scan3A_47 : i32
      %add3A_50 = arith.constant 784 : i32
      %add3A_51 = arith.addi %add3A_50, %mul3A_49 : i32
      %jit3A_52 = arith.constant 32 : i32
      %div3A_53 = arith.divsi %add3A_51, %jit3A_52 : i32
      %sign3A_54 = arith.constant 0 : i32
      %sign3A_55 = arith.cmpi sgt, %add3A_51, %sign3A_54 : i32
      %sign3A_56 = arith.extui %sign3A_55 : i1 to i32
      %sign3A_57 = arith.constant 0 : i32
      %sign3A_58 = arith.cmpi slt, %add3A_51, %sign3A_57 : i32
      %sign3A_59 = arith.extui %sign3A_58 : i1 to i32
      %sign3A_60 = arith.subi %sign3A_56, %sign3A_59 : i32
      %sign3A_61 = arith.constant 0 : i32
      %sign3A_62 = arith.cmpi sgt, %jit3A_52, %sign3A_61 : i32
      %sign3A_63 = arith.extui %sign3A_62 : i1 to i32
      %sign3A_64 = arith.constant 0 : i32
      %sign3A_65 = arith.cmpi slt, %jit3A_52, %sign3A_64 : i32
      %sign3A_66 = arith.extui %sign3A_65 : i1 to i32
      %sign3A_67 = arith.subi %sign3A_63, %sign3A_66 : i32
      %ne3A_68 = arith.cmpi ne, %sign3A_60, %sign3A_67 : i32
      %rem3A_69 = arith.remsi %add3A_51, %jit3A_52 : i32
      %ne3A_70 = arith.constant 0 : i32
      %ne3A_71 = arith.cmpi ne, %rem3A_69, %ne3A_70 : i32
      %and3A_72 = arith.andi %ne3A_68, %ne3A_71 : i1
      %sub3A_73 = arith.constant 1 : i32
      %sub3A_74 = arith.subi %div3A_53, %sub3A_73 : i32
      %select_n3A_75 = arith.select %and3A_72, %sub3A_74, %div3A_53 : i32
      %jit3A_76 = arith.constant 32 : i32
      %eq3A = arith.constant 0 : i32
      %eq3A_77 = arith.cmpi eq, %jit3A_76, %eq3A : i32
      %jit3A_78 = arith.constant 1 : i32
      %select_n3A_79 = arith.select %eq3A_77, %jit3A_78, %jit3A_76 : i32
      %rem3A_80 = arith.remsi %add3A_51, %select_n3A_79 : i32
      %ne3A_81 = arith.constant 0 : i32
      %ne3A_82 = arith.cmpi ne, %rem3A_80, %ne3A_81 : i32
      %lt3A = arith.constant 0 : i32
      %lt3A_83 = arith.cmpi slt, %rem3A_80, %lt3A : i32
      %lt3A_84 = arith.constant 0 : i32
      %lt3A_85 = arith.cmpi slt, %select_n3A_79, %lt3A_84 : i32
      %ne3A_86 = arith.xori %lt3A_83, %lt3A_85 : i1
      %and3A_87 = arith.andi %ne3A_86, %ne3A_82 : i1
      %add3A_88 = arith.addi %rem3A_80, %select_n3A_79 : i32
      %select_n3A_89 = arith.select %and3A_87, %add3A_88, %rem3A_80 : i32
      %add3A_90 = arith.addi %mul3A_2, %select_n3A_75 : i32
      %jit3A_91 = arith.constant 32 : i32
      %div3A_92 = arith.divsi %add3A_90, %jit3A_91 : i32
      %sign3A_93 = arith.constant 0 : i32
      %sign3A_94 = arith.cmpi sgt, %add3A_90, %sign3A_93 : i32
      %sign3A_95 = arith.extui %sign3A_94 : i1 to i32
      %sign3A_96 = arith.constant 0 : i32
      %sign3A_97 = arith.cmpi slt, %add3A_90, %sign3A_96 : i32
      %sign3A_98 = arith.extui %sign3A_97 : i1 to i32
      %sign3A_99 = arith.subi %sign3A_95, %sign3A_98 : i32
      %sign3A_100 = arith.constant 0 : i32
      %sign3A_101 = arith.cmpi sgt, %jit3A_91, %sign3A_100 : i32
      %sign3A_102 = arith.extui %sign3A_101 : i1 to i32
      %sign3A_103 = arith.constant 0 : i32
      %sign3A_104 = arith.cmpi slt, %jit3A_91, %sign3A_103 : i32
      %sign3A_105 = arith.extui %sign3A_104 : i1 to i32
      %sign3A_106 = arith.subi %sign3A_102, %sign3A_105 : i32
      %ne3A_107 = arith.cmpi ne, %sign3A_99, %sign3A_106 : i32
      %rem3A_108 = arith.remsi %add3A_90, %jit3A_91 : i32
      %ne3A_109 = arith.constant 0 : i32
      %ne3A_110 = arith.cmpi ne, %rem3A_108, %ne3A_109 : i32
      %and3A_111 = arith.andi %ne3A_107, %ne3A_110 : i1
      %sub3A_112 = arith.constant 1 : i32
      %sub3A_113 = arith.subi %div3A_92, %sub3A_112 : i32
      %select_n3A_114 = arith.select %and3A_111, %sub3A_113, %div3A_92 : i32
      %sub3A_115 = arith.subi %select_n3A_114, %min3A_19 : i32
      %add3A_116 = arith.addi %mul3A_2, %select_n3A_75 : i32
      %mul3A_117 = arith.constant 128 : i32
      %mul3A_118 = arith.muli %select_n3A_89, %mul3A_117 : i32
      %dma_wait3A = tpu.memref_slice %arg10[%select_n3A_75, %mul3A_118] : memref<26x4096xf32, #tpu.memory_space<vmem>> -> memref<1x128xf32, #tpu.memory_space<vmem>>
      %dma_wait3A_119 = tpu.memref_squeeze %dma_wait3A : memref<1x128xf32, #tpu.memory_space<vmem>> -> memref<128xf32, #tpu.memory_space<vmem>>
      %dma_wait3A_120 = arith.constant 0 : i32
      %dma_wait3A_121 = tpu.memref_slice %arg8[%sub3A_115, %select_n3A_89, %dma_wait3A_120] : memref<2x32x128xi32, #tpu.memory_space<vmem>> -> memref<1x1x128xi32, #tpu.memory_space<vmem>>
      %dma_wait3A_122 = tpu.memref_squeeze %dma_wait3A_121 : memref<1x1x128xi32, #tpu.memory_space<vmem>> -> memref<128xi32, #tpu.memory_space<vmem>>
      %dma_wait3A_123 = arith.constant 0 : i32
      %dma_wait3A_124 = tpu.memref_slice %arg2[%add3A_116, %dma_wait3A_123] : memref<832x100000xf32, #tpu.memory_space<hbm>> -> memref<1x100000xf32, #tpu.memory_space<hbm>>
      %dma_wait3A_125 = tpu.memref_squeeze %dma_wait3A_124 : memref<1x100000xf32, #tpu.memory_space<hbm>> -> memref<100000xf32, #tpu.memory_space<hbm>>
      %dma_wait3A_126 = arith.constant 0 : i32
      %dma_wait3A_127 = tpu.memref_slice %dma_wait3A_125[%dma_wait3A_126] : memref<100000xf32, #tpu.memory_space<hbm>> -> memref<100000xf32, #tpu.memory_space<hbm>>
      tpu.wait_indirect_dma semaphore(%arg12 : memref<!tpu.dma_semaphore, #tpu.memory_space<semaphore_mem>>) src(%dma_wait3A_127 : memref<100000xf32, #tpu.memory_space<hbm>>) dst(%dma_wait3A_119 : memref<128xf32, #tpu.memory_space<vmem>>)
      %mul3A_128 = arith.constant 2 : i32
      %mul3A_129 = arith.muli %mul3A_128, %scan3A_47 : i32
      %add3A_130 = arith.constant 784 : i32
      %add3A_131 = arith.addi %add3A_130, %mul3A_129 : i32
      %add3A_132 = arith.constant 1 : i32
      %add3A_133 = arith.addi %add3A_131, %add3A_132 : i32
      %jit3A_134 = arith.constant 32 : i32
      %div3A_135 = arith.divsi %add3A_133, %jit3A_134 : i32
      %sign3A_136 = arith.constant 0 : i32
      %sign3A_137 = arith.cmpi sgt, %add3A_133, %sign3A_136 : i32
      %sign3A_138 = arith.extui %sign3A_137 : i1 to i32
      %sign3A_139 = arith.constant 0 : i32
      %sign3A_140 = arith.cmpi slt, %add3A_133, %sign3A_139 : i32
      %sign3A_141 = arith.extui %sign3A_140 : i1 to i32
      %sign3A_142 = arith.subi %sign3A_138, %sign3A_141 : i32
      %sign3A_143 = arith.constant 0 : i32
      %sign3A_144 = arith.cmpi sgt, %jit3A_134, %sign3A_143 : i32
      %sign3A_145 = arith.extui %sign3A_144 : i1 to i32
      %sign3A_146 = arith.constant 0 : i32
      %sign3A_147 = arith.cmpi slt, %jit3A_134, %sign3A_146 : i32
      %sign3A_148 = arith.extui %sign3A_147 : i1 to i32
      %sign3A_149 = arith.subi %sign3A_145, %sign3A_148 : i32
      %ne3A_150 = arith.cmpi ne, %sign3A_142, %sign3A_149 : i32
      %rem3A_151 = arith.remsi %add3A_133, %jit3A_134 : i32
      %ne3A_152 = arith.constant 0 : i32
      %ne3A_153 = arith.cmpi ne, %rem3A_151, %ne3A_152 : i32
      %and3A_154 = arith.andi %ne3A_150, %ne3A_153 : i1
      %sub3A_155 = arith.constant 1 : i32
      %sub3A_156 = arith.subi %div3A_135, %sub3A_155 : i32
      %select_n3A_157 = arith.select %and3A_154, %sub3A_156, %div3A_135 : i32
      %jit3A_158 = arith.constant 32 : i32
      %eq3A_159 = arith.constant 0 : i32
      %eq3A_160 = arith.cmpi eq, %jit3A_158, %eq3A_159 : i32
      %jit3A_161 = arith.constant 1 : i32
      %select_n3A_162 = arith.select %eq3A_160, %jit3A_161, %jit3A_158 : i32
      %rem3A_163 = arith.remsi %add3A_133, %select_n3A_162 : i32
      %ne3A_164 = arith.constant 0 : i32
      %ne3A_165 = arith.cmpi ne, %rem3A_163, %ne3A_164 : i32
      %lt3A_166 = arith.constant 0 : i32
      %lt3A_167 = arith.cmpi slt, %rem3A_163, %lt3A_166 : i32
      %lt3A_168 = arith.constant 0 : i32
      %lt3A_169 = arith.cmpi slt, %select_n3A_162, %lt3A_168 : i32
      %ne3A_170 = arith.xori %lt3A_167, %lt3A_169 : i1
      %and3A_171 = arith.andi %ne3A_170, %ne3A_165 : i1
      %add3A_172 = arith.addi %rem3A_163, %select_n3A_162 : i32
      %select_n3A_173 = arith.select %and3A_171, %add3A_172, %rem3A_163 : i32
      %add3A_174 = arith.addi %mul3A_2, %select_n3A_157 : i32
      %jit3A_175 = arith.constant 32 : i32
      %div3A_176 = arith.divsi %add3A_174, %jit3A_175 : i32
      %sign3A_177 = arith.constant 0 : i32
      %sign3A_178 = arith.cmpi sgt, %add3A_174, %sign3A_177 : i32
      %sign3A_179 = arith.extui %sign3A_178 : i1 to i32
      %sign3A_180 = arith.constant 0 : i32
      %sign3A_181 = arith.cmpi slt, %add3A_174, %sign3A_180 : i32
      %sign3A_182 = arith.extui %sign3A_181 : i1 to i32
      %sign3A_183 = arith.subi %sign3A_179, %sign3A_182 : i32
      %sign3A_184 = arith.constant 0 : i32
      %sign3A_185 = arith.cmpi sgt, %jit3A_175, %sign3A_184 : i32
      %sign3A_186 = arith.extui %sign3A_185 : i1 to i32
      %sign3A_187 = arith.constant 0 : i32
      %sign3A_188 = arith.cmpi slt, %jit3A_175, %sign3A_187 : i32
      %sign3A_189 = arith.extui %sign3A_188 : i1 to i32
      %sign3A_190 = arith.subi %sign3A_186, %sign3A_189 : i32
      %ne3A_191 = arith.cmpi ne, %sign3A_183, %sign3A_190 : i32
      %rem3A_192 = arith.remsi %add3A_174, %jit3A_175 : i32
      %ne3A_193 = arith.constant 0 : i32
      %ne3A_194 = arith.cmpi ne, %rem3A_192, %ne3A_193 : i32
      %and3A_195 = arith.andi %ne3A_191, %ne3A_194 : i1
      %sub3A_196 = arith.constant 1 : i32
      %sub3A_197 = arith.subi %div3A_176, %sub3A_196 : i32
      %select_n3A_198 = arith.select %and3A_195, %sub3A_197, %div3A_176 : i32
      %sub3A_199 = arith.subi %select_n3A_198, %min3A_19 : i32
      %add3A_200 = arith.addi %mul3A_2, %select_n3A_157 : i32
      %mul3A_201 = arith.constant 128 : i32
      %mul3A_202 = arith.muli %select_n3A_173, %mul3A_201 : i32
      %dma_wait3A_203 = tpu.memref_slice %arg10[%select_n3A_157, %mul3A_202] : memref<26x4096xf32, #tpu.memory_space<vmem>> -> memref<1x128xf32, #tpu.memory_space<vmem>>
      %dma_wait3A_204 = tpu.memref_squeeze %dma_wait3A_203 : memref<1x128xf32, #tpu.memory_space<vmem>> -> memref<128xf32, #tpu.memory_space<vmem>>
      %dma_wait3A_205 = arith.constant 0 : i32
      %dma_wait3A_206 = tpu.memref_slice %arg8[%sub3A_199, %select_n3A_173, %dma_wait3A_205] : memref<2x32x128xi32, #tpu.memory_space<vmem>> -> memref<1x1x128xi32, #tpu.memory_space<vmem>>
      %dma_wait3A_207 = tpu.memref_squeeze %dma_wait3A_206 : memref<1x1x128xi32, #tpu.memory_space<vmem>> -> memref<128xi32, #tpu.memory_space<vmem>>
      %dma_wait3A_208 = arith.constant 0 : i32
      %dma_wait3A_209 = tpu.memref_slice %arg2[%add3A_200, %dma_wait3A_208] : memref<832x100000xf32, #tpu.memory_space<hbm>> -> memref<1x100000xf32, #tpu.memory_space<hbm>>
      %dma_wait3A_210 = tpu.memref_squeeze %dma_wait3A_209 : memref<1x100000xf32, #tpu.memory_space<hbm>> -> memref<100000xf32, #tpu.memory_space<hbm>>
      %dma_wait3A_211 = arith.constant 0 : i32
      %dma_wait3A_212 = tpu.memref_slice %dma_wait3A_210[%dma_wait3A_211] : memref<100000xf32, #tpu.memory_space<hbm>> -> memref<100000xf32, #tpu.memory_space<hbm>>
      tpu.wait_indirect_dma semaphore(%arg13 : memref<!tpu.dma_semaphore, #tpu.memory_space<semaphore_mem>>) src(%dma_wait3A_212 : memref<100000xf32, #tpu.memory_space<hbm>>) dst(%dma_wait3A_204 : memref<128xf32, #tpu.memory_space<vmem>>)
    }
    %scan3A_32 = arith.constant 24 : i32
    %scan3A_33 = arith.constant 0 : i32
    %scan3A_34 = arith.constant 0 : i32
    %scan3A_35 = arith.constant 26 : i32
    %scan3A_36 = arith.addi %scan3A_34, %scan3A_35 : i32
    %scan3A_37 = arith.constant 1 : i32
    scf.for %scan3A_47 = %scan3A_34 to %scan3A_36 step %scan3A_37  : i32 {
      %dma_start3A = arith.constant 0 : i32
      %dma_start3A_48 = arith.constant 0 : i32
      %dma_start3A_49 = tpu.memref_slice %arg11[%scan3A_47, %dma_start3A_48] : memref<26x128xf32, #tpu.memory_space<vmem>> -> memref<1x128xf32, #tpu.memory_space<vmem>>
      %dma_start3A_50 = tpu.memref_squeeze %dma_start3A_49 : memref<1x128xf32, #tpu.memory_space<vmem>> -> memref<128xf32, #tpu.memory_space<vmem>>
      %dma_start3A_51 = arith.constant 0 : i32
      %dma_start3A_52 = tpu.memref_slice %arg9[%scan3A_47, %dma_start3A_51] : memref<26x128xi32, #tpu.memory_space<vmem>> -> memref<1x128xi32, #tpu.memory_space<vmem>>
      %dma_start3A_53 = tpu.memref_squeeze %dma_start3A_52 : memref<1x128xi32, #tpu.memory_space<vmem>> -> memref<128xi32, #tpu.memory_space<vmem>>
      %dma_start3A_54 = arith.constant 0 : i32
      %dma_start3A_55 = tpu.memref_slice %arg3[%dma_start3A, %dma_start3A_54] : memref<1x2600000xf32, #tpu.memory_space<hbm>> -> memref<1x2600000xf32, #tpu.memory_space<hbm>>
      %dma_start3A_56 = tpu.memref_squeeze %dma_start3A_55 : memref<1x2600000xf32, #tpu.memory_space<hbm>> -> memref<2600000xf32, #tpu.memory_space<hbm>>
      %dma_start3A_57 = arith.constant 0 : i32
      %dma_start3A_58 = tpu.memref_slice %dma_start3A_56[%dma_start3A_57] : memref<2600000xf32, #tpu.memory_space<hbm>> -> memref<2600000xf32, #tpu.memory_space<hbm>>
      tpu.enqueue_indirect_dma source(%dma_start3A_58 : memref<2600000xf32, #tpu.memory_space<hbm>>) target(%dma_start3A_50 : memref<128xf32, #tpu.memory_space<vmem>>) offsets(%dma_start3A_53 : memref<128xi32, #tpu.memory_space<vmem>>) semaphore(%arg14 : memref<!tpu.dma_semaphore, #tpu.memory_space<semaphore_mem>>)
      %ge3A = arith.constant 4 : i32
      %ge3A_59 = arith.cmpi sge, %scan3A_47, %ge3A : i32
      %convert_element_type3A = arith.extui %ge3A_59 : i1 to i32
      %cond3A = arith.constant 0 : i32
      %cond3A_60 = arith.cmpi ne, %convert_element_type3A, %cond3A : i32
      scf.if %cond3A_60 {
        %sub3A_61 = arith.constant 4 : i32
        %sub3A_62 = arith.subi %scan3A_47, %sub3A_61 : i32
        %dma_wait3A = arith.constant 0 : i32
        %dma_wait3A_63 = arith.constant 0 : i32
        %dma_wait3A_64 = tpu.memref_slice %arg11[%sub3A_62, %dma_wait3A_63] : memref<26x128xf32, #tpu.memory_space<vmem>> -> memref<1x128xf32, #tpu.memory_space<vmem>>
        %dma_wait3A_65 = tpu.memref_squeeze %dma_wait3A_64 : memref<1x128xf32, #tpu.memory_space<vmem>> -> memref<128xf32, #tpu.memory_space<vmem>>
        %dma_wait3A_66 = arith.constant 0 : i32
        %dma_wait3A_67 = tpu.memref_slice %arg9[%sub3A_62, %dma_wait3A_66] : memref<26x128xi32, #tpu.memory_space<vmem>> -> memref<1x128xi32, #tpu.memory_space<vmem>>
        %dma_wait3A_68 = tpu.memref_squeeze %dma_wait3A_67 : memref<1x128xi32, #tpu.memory_space<vmem>> -> memref<128xi32, #tpu.memory_space<vmem>>
        %dma_wait3A_69 = arith.constant 0 : i32
        %dma_wait3A_70 = tpu.memref_slice %arg3[%dma_wait3A, %dma_wait3A_69] : memref<1x2600000xf32, #tpu.memory_space<hbm>> -> memref<1x2600000xf32, #tpu.memory_space<hbm>>
        %dma_wait3A_71 = tpu.memref_squeeze %dma_wait3A_70 : memref<1x2600000xf32, #tpu.memory_space<hbm>> -> memref<2600000xf32, #tpu.memory_space<hbm>>
        %dma_wait3A_72 = arith.constant 0 : i32
        %dma_wait3A_73 = tpu.memref_slice %dma_wait3A_71[%dma_wait3A_72] : memref<2600000xf32, #tpu.memory_space<hbm>> -> memref<2600000xf32, #tpu.memory_space<hbm>>
        tpu.wait_indirect_dma semaphore(%arg14 : memref<!tpu.dma_semaphore, #tpu.memory_space<semaphore_mem>>) src(%dma_wait3A_73 : memref<2600000xf32, #tpu.memory_space<hbm>>) dst(%dma_wait3A_65 : memref<128xf32, #tpu.memory_space<vmem>>)
      } else {
      }
    }
    %scan3A_38 = arith.constant 26 : i32
    %scan3A_39 = arith.constant 0 : i32
    %scan3A_40 = arith.constant 0 : i32
    %scan3A_41 = arith.constant 4 : i32
    %scan3A_42 = arith.addi %scan3A_40, %scan3A_41 : i32
    %scan3A_43 = arith.constant 1 : i32
    scf.for %scan3A_47 = %scan3A_40 to %scan3A_42 step %scan3A_43  : i32 {
      %add3A_48 = arith.constant 22 : i32
      %add3A_49 = arith.addi %add3A_48, %scan3A_47 : i32
      %dma_wait3A = arith.constant 0 : i32
      %dma_wait3A_50 = arith.constant 0 : i32
      %dma_wait3A_51 = tpu.memref_slice %arg11[%add3A_49, %dma_wait3A_50] : memref<26x128xf32, #tpu.memory_space<vmem>> -> memref<1x128xf32, #tpu.memory_space<vmem>>
      %dma_wait3A_52 = tpu.memref_squeeze %dma_wait3A_51 : memref<1x128xf32, #tpu.memory_space<vmem>> -> memref<128xf32, #tpu.memory_space<vmem>>
      %dma_wait3A_53 = arith.constant 0 : i32
      %dma_wait3A_54 = tpu.memref_slice %arg9[%add3A_49, %dma_wait3A_53] : memref<26x128xi32, #tpu.memory_space<vmem>> -> memref<1x128xi32, #tpu.memory_space<vmem>>
      %dma_wait3A_55 = tpu.memref_squeeze %dma_wait3A_54 : memref<1x128xi32, #tpu.memory_space<vmem>> -> memref<128xi32, #tpu.memory_space<vmem>>
      %dma_wait3A_56 = arith.constant 0 : i32
      %dma_wait3A_57 = tpu.memref_slice %arg3[%dma_wait3A, %dma_wait3A_56] : memref<1x2600000xf32, #tpu.memory_space<hbm>> -> memref<1x2600000xf32, #tpu.memory_space<hbm>>
      %dma_wait3A_58 = tpu.memref_squeeze %dma_wait3A_57 : memref<1x2600000xf32, #tpu.memory_space<hbm>> -> memref<2600000xf32, #tpu.memory_space<hbm>>
      %dma_wait3A_59 = arith.constant 0 : i32
      %dma_wait3A_60 = tpu.memref_slice %dma_wait3A_58[%dma_wait3A_59] : memref<2600000xf32, #tpu.memory_space<hbm>> -> memref<2600000xf32, #tpu.memory_space<hbm>>
      tpu.wait_indirect_dma semaphore(%arg14 : memref<!tpu.dma_semaphore, #tpu.memory_space<semaphore_mem>>) src(%dma_wait3A_60 : memref<2600000xf32, #tpu.memory_space<hbm>>) dst(%dma_wait3A_52 : memref<128xf32, #tpu.memory_space<vmem>>)
    }
    %scan3A_44 = arith.constant 4 : i32
    "tpu.region"() ({
      %run_scoped3A = tpu.sem_alloc : memref<!tpu.dma_semaphore, #tpu.memory_space<semaphore_mem>>
      %dma_start3A = arith.constant 0 : i32
      %dma_start3A_47 = tpu.memref_slice %arg6[%mul3A_2, %dma_start3A] : memref<832x4096xf32, #tpu.memory_space<hbm>> -> memref<26x4096xf32, #tpu.memory_space<hbm>>
      %dma_start3A_48 = arith.constant 0 : i32
      %dma_start3A_49 = tpu.memref_slice %arg6[%mul3A_2, %dma_start3A_48] : memref<832x4096xf32, #tpu.memory_space<hbm>> -> memref<26x4096xf32, #tpu.memory_space<hbm>>
      tpu.enqueue_dma source(%arg10 : memref<26x4096xf32, #tpu.memory_space<vmem>>) target(%dma_start3A_49 : memref<26x4096xf32, #tpu.memory_space<hbm>>) target_semaphore(%run_scoped3A : memref<!tpu.dma_semaphore, #tpu.memory_space<semaphore_mem>>)
      %dma_wait3A = arith.constant 0 : i32
      %dma_wait3A_50 = tpu.memref_slice %arg6[%mul3A_2, %dma_wait3A] : memref<832x4096xf32, #tpu.memory_space<hbm>> -> memref<26x4096xf32, #tpu.memory_space<hbm>>
      %dma_wait3A_51 = arith.constant 0 : i32
      %dma_wait3A_52 = tpu.memref_slice %arg6[%mul3A_2, %dma_wait3A_51] : memref<832x4096xf32, #tpu.memory_space<hbm>> -> memref<26x4096xf32, #tpu.memory_space<hbm>>
      tpu.wait_dma2 semaphore(%run_scoped3A : memref<!tpu.dma_semaphore, #tpu.memory_space<semaphore_mem>>) src(%arg10 : memref<26x4096xf32, #tpu.memory_space<vmem>>) dst(%dma_wait3A_52 : memref<26x4096xf32, #tpu.memory_space<hbm>>)
      tpu.yield
    }) : () -> ()
    %mul3A_45 = arith.constant 26 : i32
    %mul3A_46 = arith.muli %add3A, %mul3A_45 : i32
    "tpu.region"() ({
      %run_scoped3A = tpu.sem_alloc : memref<!tpu.dma_semaphore, #tpu.memory_space<semaphore_mem>>
      %dma_start3A = arith.constant 0 : i32
      %dma_start3A_47 = tpu.memref_slice %arg7[%mul3A_46, %dma_start3A] : memref<832x128xf32, #tpu.memory_space<hbm>> -> memref<26x128xf32, #tpu.memory_space<hbm>>
      %dma_start3A_48 = arith.constant 0 : i32
      %dma_start3A_49 = tpu.memref_slice %arg7[%mul3A_46, %dma_start3A_48] : memref<832x128xf32, #tpu.memory_space<hbm>> -> memref<26x128xf32, #tpu.memory_space<hbm>>
      tpu.enqueue_dma source(%arg11 : memref<26x128xf32, #tpu.memory_space<vmem>>) target(%dma_start3A_49 : memref<26x128xf32, #tpu.memory_space<hbm>>) target_semaphore(%run_scoped3A : memref<!tpu.dma_semaphore, #tpu.memory_space<semaphore_mem>>)
      %dma_wait3A = arith.constant 0 : i32
      %dma_wait3A_50 = tpu.memref_slice %arg7[%mul3A_46, %dma_wait3A] : memref<832x128xf32, #tpu.memory_space<hbm>> -> memref<26x128xf32, #tpu.memory_space<hbm>>
      %dma_wait3A_51 = arith.constant 0 : i32
      %dma_wait3A_52 = tpu.memref_slice %arg7[%mul3A_46, %dma_wait3A_51] : memref<832x128xf32, #tpu.memory_space<hbm>> -> memref<26x128xf32, #tpu.memory_space<hbm>>
      tpu.wait_dma2 semaphore(%run_scoped3A : memref<!tpu.dma_semaphore, #tpu.memory_space<semaphore_mem>>) src(%arg11 : memref<26x128xf32, #tpu.memory_space<vmem>>) dst(%dma_wait3A_52 : memref<26x128xf32, #tpu.memory_space<hbm>>)
      tpu.yield
    }) : () -> ()
    return
  }
}

module attributes {stable_mosaic.version = 14 : i64} {
  func.func @body(%arg0: i32, %arg1: memref<832x1024xf32, #tpu.memory_space<vmem>>, %arg2: memref<13x1024xf32, #tpu.memory_space<vmem>>, %arg3: memref<26x1024xf32, #tpu.memory_space<vmem>>, %arg4: memref<1x1xf32, #tpu.memory_space<vmem>>, %arg5: memref<845x256xf32, #tpu.memory_space<vmem>>, %arg6: memref<256x1xf32, #tpu.memory_space<vmem>>, %arg7: memref<256x1xf32, #tpu.memory_space<vmem>>, %arg8: memref<256x1xf32, #tpu.memory_space<vmem>>, %arg9: memref<256x128xf32, #tpu.memory_space<vmem>>, %arg10: memref<128x1xf32, #tpu.memory_space<vmem>>, %arg11: memref<128x1xf32, #tpu.memory_space<vmem>>, %arg12: memref<128x1xf32, #tpu.memory_space<vmem>>, %arg13: memref<128x64xf32, #tpu.memory_space<vmem>>, %arg14: memref<64x1xf32, #tpu.memory_space<vmem>>, %arg15: memref<64x1xf32, #tpu.memory_space<vmem>>, %arg16: memref<64x1xf32, #tpu.memory_space<vmem>>, %arg17: memref<64x1xf32, #tpu.memory_space<vmem>>, %arg18: memref<1x1xf32, #tpu.memory_space<vmem>>, %arg19: memref<1x1024xf32, #tpu.memory_space<vmem>>) attributes {dimension_semantics = [#tpu.dimension_semantics<arbitrary>], iteration_bounds = array<i64: 4>, scalar_prefetch = 0 : i64, scratch_operands = 0 : i64, tpu.core_type = #tpu.core_type<tc>, window_params = [{transform_indices = @transform_0, window_bounds = array<i64: 832, 1024>}, {transform_indices = @transform_1, window_bounds = array<i64: 13, 1024>}, {transform_indices = @transform_2, window_bounds = array<i64: 26, 1024>}, {pipeline_mode = #tpu.pipeline_mode<synchronous>, transform_indices = @transform_3, window_bounds = array<i64: 1, 1>}, {pipeline_mode = #tpu.pipeline_mode<synchronous>, transform_indices = @transform_4, window_bounds = array<i64: 845, 256>}, {pipeline_mode = #tpu.pipeline_mode<synchronous>, transform_indices = @transform_5, window_bounds = array<i64: 256, 1>}, {pipeline_mode = #tpu.pipeline_mode<synchronous>, transform_indices = @transform_6, window_bounds = array<i64: 256, 1>}, {pipeline_mode = #tpu.pipeline_mode<synchronous>, transform_indices = @transform_7, window_bounds = array<i64: 256, 1>}, {pipeline_mode = #tpu.pipeline_mode<synchronous>, transform_indices = @transform_8, window_bounds = array<i64: 256, 128>}, {pipeline_mode = #tpu.pipeline_mode<synchronous>, transform_indices = @transform_9, window_bounds = array<i64: 128, 1>}, {pipeline_mode = #tpu.pipeline_mode<synchronous>, transform_indices = @transform_10, window_bounds = array<i64: 128, 1>}, {pipeline_mode = #tpu.pipeline_mode<synchronous>, transform_indices = @transform_11, window_bounds = array<i64: 128, 1>}, {pipeline_mode = #tpu.pipeline_mode<synchronous>, transform_indices = @transform_12, window_bounds = array<i64: 128, 64>}, {pipeline_mode = #tpu.pipeline_mode<synchronous>, transform_indices = @transform_13, window_bounds = array<i64: 64, 1>}, {pipeline_mode = #tpu.pipeline_mode<synchronous>, transform_indices = @transform_14, window_bounds = array<i64: 64, 1>}, {pipeline_mode = #tpu.pipeline_mode<synchronous>, transform_indices = @transform_15, window_bounds = array<i64: 64, 1>}, {pipeline_mode = #tpu.pipeline_mode<synchronous>, transform_indices = @transform_16, window_bounds = array<i64: 64, 1>}, {pipeline_mode = #tpu.pipeline_mode<synchronous>, transform_indices = @transform_17, window_bounds = array<i64: 1, 1>}, {transform_indices = @transform_18, window_bounds = array<i64: 1, 1024>}]} {
    %get3A = arith.constant 0 : index
    %get3A_0 = arith.constant 0 : index
    %get3A_1 = vector.load %arg1[%get3A, %get3A_0] : memref<832x1024xf32, #tpu.memory_space<vmem>>, vector<832x1024xf32>
    %iota3A = tpu.iota {dimensions = array<i32: 0>} : vector<832x32xi32>
    %jit3A = arith.constant 32 : i32
    %eq3A = arith.constant 0 : i32
    %eq3A_2 = arith.cmpi eq, %jit3A, %eq3A : i32
    %jit3A_3 = arith.constant 1 : i32
    %select_n3A = arith.select %eq3A_2, %jit3A_3, %jit3A : i32
    %rem3A = vector.broadcast %select_n3A : i32 to vector<832x32xi32>
    %rem3A_4 = arith.remsi %iota3A, %rem3A : vector<832x32xi32>
    %ne3A = arith.constant 0 : i32
    %ne3A_5 = vector.broadcast %ne3A : i32 to vector<832x32xi32>
    %ne3A_6 = arith.cmpi ne, %rem3A_4, %ne3A_5 : vector<832x32xi32>
    %lt3A = arith.constant 0 : i32
    %lt3A_7 = vector.broadcast %lt3A : i32 to vector<832x32xi32>
    %lt3A_8 = arith.cmpi slt, %rem3A_4, %lt3A_7 : vector<832x32xi32>
    %lt3A_9 = arith.constant 0 : i32
    %lt3A_10 = arith.cmpi slt, %select_n3A, %lt3A_9 : i32
    %ne3A_11 = vector.broadcast %lt3A_10 : i1 to vector<832x32xi1>
    %ne3A_12 = vector.broadcast %ne3A_11 : vector<832x32xi1> to vector<832x32xi1>
    %ne3A_13 = arith.xori %lt3A_8, %ne3A_12 : vector<832x32xi1>
    %and3A = arith.andi %ne3A_13, %ne3A_6 : vector<832x32xi1>
    %add3A = vector.broadcast %select_n3A : i32 to vector<832x32xi32>
    %add3A_14 = arith.addi %rem3A_4, %add3A : vector<832x32xi32>
    %select_n3A_15 = arith.select %and3A, %add3A_14, %rem3A_4 : vector<832x32xi1>, vector<832x32xi32>
    %iota3A_16 = tpu.iota {dimensions = array<i32: 1>} : vector<832x32xi32>
    %eq3A_17 = arith.cmpi eq, %select_n3A_15, %iota3A_16 : vector<832x32xi32>
    %convert_element_type3A = arith.extui %eq3A_17 : vector<832x32xi1> to vector<832x32xi32>
    %convert_element_type3A_18 = arith.sitofp %convert_element_type3A : vector<832x32xi32> to vector<832x32xf32>
    %dot_general3A = arith.constant dense<0.000000e+00> : vector<32x1024xf32>
    %dot_general3A_19 = tpu.matmul %convert_element_type3A_18, %get3A_1, %dot_general3A {dimension_numbers = #tpu.dot_dimension_numbers<[0], [0], [1], [1], [0, 1, 1, 1], [], []>, transpose_lhs_hint = false} : vector<832x32xf32>, vector<832x1024xf32>, vector<32x1024xf32> -> vector<32x1024xf32>
    %mul3A = arith.mulf %get3A_1, %get3A_1 : vector<832x1024xf32>
    %dot_general3A_20 = arith.constant dense<0.000000e+00> : vector<32x1024xf32>
    %dot_general3A_21 = tpu.matmul %convert_element_type3A_18, %mul3A, %dot_general3A_20 {dimension_numbers = #tpu.dot_dimension_numbers<[0], [0], [1], [1], [0, 1, 1, 1], [], []>, transpose_lhs_hint = false} : vector<832x32xf32>, vector<832x1024xf32>, vector<32x1024xf32> -> vector<32x1024xf32>
    %mul3A_22 = arith.mulf %dot_general3A_19, %dot_general3A_19 : vector<32x1024xf32>
    %sub3A = arith.subf %mul3A_22, %dot_general3A_21 : vector<32x1024xf32>
    %reduce_sum3A = arith.constant dense<0.000000e+00> : vector<1024xf32>
    %reduce_sum3A_23 = vector.multi_reduction <add>, %sub3A, %reduce_sum3A [0] : vector<32x1024xf32> to vector<1024xf32>
    %broadcast_in_dim3A = vector.shape_cast %reduce_sum3A_23 : vector<1024xf32> to vector<1x1024xf32>
    %mul3A_24 = arith.constant 5.000000e-01 : f32
    %mul3A_25 = vector.broadcast %mul3A_24 : f32 to vector<1x1024xf32>
    %mul3A_26 = arith.mulf %mul3A_25, %broadcast_in_dim3A : vector<1x1024xf32>
    %get3A_27 = arith.constant 0 : index
    %get3A_28 = arith.constant 0 : index
    %get3A_29 = vector.load %arg3[%get3A_27, %get3A_28] : memref<26x1024xf32, #tpu.memory_space<vmem>>, vector<26x1024xf32>
    %reduce_sum3A_30 = arith.constant dense<0.000000e+00> : vector<1024xf32>
    %reduce_sum3A_31 = vector.multi_reduction <add>, %get3A_29, %reduce_sum3A_30 [0] : vector<26x1024xf32> to vector<1024xf32>
    %broadcast_in_dim3A_32 = vector.shape_cast %reduce_sum3A_31 : vector<1024xf32> to vector<1x1024xf32>
    %get3A_33 = arith.constant 0 : index
    %get3A_34 = arith.constant 0 : index
    %get3A_35 = vector.load %arg4[%get3A_33, %get3A_34] : memref<1x1xf32, #tpu.memory_space<vmem>>, vector<1x1xf32>
    %get3A_36 = vector.extract %get3A_35[0, 0] : f32 from vector<1x1xf32>
    %add3A_37 = vector.broadcast %get3A_36 : f32 to vector<1x1024xf32>
    %add3A_38 = arith.addf %broadcast_in_dim3A_32, %add3A_37 : vector<1x1024xf32>
    %get3A_39 = arith.constant 0 : index
    %get3A_40 = arith.constant 0 : index
    %get3A_41 = vector.load %arg5[%get3A_39, %get3A_40] : memref<845x256xf32, #tpu.memory_space<vmem>>, vector<832x256xf32>
    %dot_general3A_42 = arith.constant dense<0.000000e+00> : vector<256x1024xf32>
    %dot_general3A_43 = tpu.matmul %get3A_41, %get3A_1, %dot_general3A_42 {dimension_numbers = #tpu.dot_dimension_numbers<[0], [0], [1], [1], [0, 1, 1, 1], [], []>, transpose_lhs_hint = false} : vector<832x256xf32>, vector<832x1024xf32>, vector<256x1024xf32> -> vector<256x1024xf32>
    %get3A_44 = arith.constant 832 : index
    %get3A_45 = arith.constant 0 : index
    %get3A_46 = vector.load %arg5[%get3A_44, %get3A_45] : memref<845x256xf32, #tpu.memory_space<vmem>>, vector<13x256xf32>
    %get3A_47 = arith.constant 0 : index
    %get3A_48 = arith.constant 0 : index
    %get3A_49 = vector.load %arg2[%get3A_47, %get3A_48] : memref<13x1024xf32, #tpu.memory_space<vmem>>, vector<13x1024xf32>
    %dot_general3A_50 = arith.constant dense<0.000000e+00> : vector<256x1024xf32>
    %dot_general3A_51 = tpu.matmul %get3A_46, %get3A_49, %dot_general3A_50 {dimension_numbers = #tpu.dot_dimension_numbers<[0], [0], [1], [1], [0, 1, 1, 1], [], []>, transpose_lhs_hint = false} : vector<13x256xf32>, vector<13x1024xf32>, vector<256x1024xf32> -> vector<256x1024xf32>
    %add3A_52 = arith.addf %dot_general3A_43, %dot_general3A_51 : vector<256x1024xf32>
    %get3A_53 = arith.constant 0 : index
    %get3A_54 = arith.constant 0 : index
    %get3A_55 = vector.load %arg6[%get3A_53, %get3A_54] : memref<256x1xf32, #tpu.memory_space<vmem>>, vector<256x1xf32>
    %add3A_56 = vector.broadcast %get3A_55 : vector<256x1xf32> to vector<256x1024xf32>
    %add3A_57 = arith.addf %add3A_52, %add3A_56 : vector<256x1024xf32>
    %get3A_58 = arith.constant 0 : index
    %get3A_59 = arith.constant 0 : index
    %get3A_60 = vector.load %arg7[%get3A_58, %get3A_59] : memref<256x1xf32, #tpu.memory_space<vmem>>, vector<256x1xf32>
    %mul3A_61 = arith.constant 0.999994993 : f32
    %mul3A_62 = vector.broadcast %mul3A_61 : f32 to vector<256x1xf32>
    %mul3A_63 = arith.mulf %get3A_60, %mul3A_62 : vector<256x1xf32>
    %mul3A_64 = vector.broadcast %mul3A_63 : vector<256x1xf32> to vector<256x1024xf32>
    %mul3A_65 = arith.mulf %add3A_57, %mul3A_64 : vector<256x1024xf32>
    %get3A_66 = arith.constant 0 : index
    %get3A_67 = arith.constant 0 : index
    %get3A_68 = vector.load %arg8[%get3A_66, %get3A_67] : memref<256x1xf32, #tpu.memory_space<vmem>>, vector<256x1xf32>
    %add3A_69 = vector.broadcast %get3A_68 : vector<256x1xf32> to vector<256x1024xf32>
    %add3A_70 = arith.addf %mul3A_65, %add3A_69 : vector<256x1024xf32>
    %max3A = arith.constant 0.000000e+00 : f32
    %max3A_71 = vector.broadcast %max3A : f32 to vector<256x1024xf32>
    %max3A_72 = arith.maximumf %add3A_70, %max3A_71 : vector<256x1024xf32>
    %get3A_73 = arith.constant 0 : index
    %get3A_74 = arith.constant 0 : index
    %get3A_75 = vector.load %arg9[%get3A_73, %get3A_74] : memref<256x128xf32, #tpu.memory_space<vmem>>, vector<256x128xf32>
    %dot_general3A_76 = arith.constant dense<0.000000e+00> : vector<128x1024xf32>
    %dot_general3A_77 = tpu.matmul %get3A_75, %max3A_72, %dot_general3A_76 {dimension_numbers = #tpu.dot_dimension_numbers<[0], [0], [1], [1], [0, 1, 1, 1], [], []>, transpose_lhs_hint = false} : vector<256x128xf32>, vector<256x1024xf32>, vector<128x1024xf32> -> vector<128x1024xf32>
    %get3A_78 = arith.constant 0 : index
    %get3A_79 = arith.constant 0 : index
    %get3A_80 = vector.load %arg10[%get3A_78, %get3A_79] : memref<128x1xf32, #tpu.memory_space<vmem>>, vector<128x1xf32>
    %add3A_81 = vector.broadcast %get3A_80 : vector<128x1xf32> to vector<128x1024xf32>
    %add3A_82 = arith.addf %dot_general3A_77, %add3A_81 : vector<128x1024xf32>
    %get3A_83 = arith.constant 0 : index
    %get3A_84 = arith.constant 0 : index
    %get3A_85 = vector.load %arg11[%get3A_83, %get3A_84] : memref<128x1xf32, #tpu.memory_space<vmem>>, vector<128x1xf32>
    %mul3A_86 = arith.constant 0.999994993 : f32
    %mul3A_87 = vector.broadcast %mul3A_86 : f32 to vector<128x1xf32>
    %mul3A_88 = arith.mulf %get3A_85, %mul3A_87 : vector<128x1xf32>
    %mul3A_89 = vector.broadcast %mul3A_88 : vector<128x1xf32> to vector<128x1024xf32>
    %mul3A_90 = arith.mulf %add3A_82, %mul3A_89 : vector<128x1024xf32>
    %get3A_91 = arith.constant 0 : index
    %get3A_92 = arith.constant 0 : index
    %get3A_93 = vector.load %arg12[%get3A_91, %get3A_92] : memref<128x1xf32, #tpu.memory_space<vmem>>, vector<128x1xf32>
    %add3A_94 = vector.broadcast %get3A_93 : vector<128x1xf32> to vector<128x1024xf32>
    %add3A_95 = arith.addf %mul3A_90, %add3A_94 : vector<128x1024xf32>
    %max3A_96 = arith.constant 0.000000e+00 : f32
    %max3A_97 = vector.broadcast %max3A_96 : f32 to vector<128x1024xf32>
    %max3A_98 = arith.maximumf %add3A_95, %max3A_97 : vector<128x1024xf32>
    %get3A_99 = arith.constant 0 : index
    %get3A_100 = arith.constant 0 : index
    %get3A_101 = vector.load %arg13[%get3A_99, %get3A_100] : memref<128x64xf32, #tpu.memory_space<vmem>>, vector<128x64xf32>
    %dot_general3A_102 = arith.constant dense<0.000000e+00> : vector<64x1024xf32>
    %dot_general3A_103 = tpu.matmul %get3A_101, %max3A_98, %dot_general3A_102 {dimension_numbers = #tpu.dot_dimension_numbers<[0], [0], [1], [1], [0, 1, 1, 1], [], []>, transpose_lhs_hint = false} : vector<128x64xf32>, vector<128x1024xf32>, vector<64x1024xf32> -> vector<64x1024xf32>
    %get3A_104 = arith.constant 0 : index
    %get3A_105 = arith.constant 0 : index
    %get3A_106 = vector.load %arg14[%get3A_104, %get3A_105] : memref<64x1xf32, #tpu.memory_space<vmem>>, vector<64x1xf32>
    %add3A_107 = vector.broadcast %get3A_106 : vector<64x1xf32> to vector<64x1024xf32>
    %add3A_108 = arith.addf %dot_general3A_103, %add3A_107 : vector<64x1024xf32>
    %get3A_109 = arith.constant 0 : index
    %get3A_110 = arith.constant 0 : index
    %get3A_111 = vector.load %arg15[%get3A_109, %get3A_110] : memref<64x1xf32, #tpu.memory_space<vmem>>, vector<64x1xf32>
    %mul3A_112 = arith.constant 0.999994993 : f32
    %mul3A_113 = vector.broadcast %mul3A_112 : f32 to vector<64x1xf32>
    %mul3A_114 = arith.mulf %get3A_111, %mul3A_113 : vector<64x1xf32>
    %mul3A_115 = vector.broadcast %mul3A_114 : vector<64x1xf32> to vector<64x1024xf32>
    %mul3A_116 = arith.mulf %add3A_108, %mul3A_115 : vector<64x1024xf32>
    %get3A_117 = arith.constant 0 : index
    %get3A_118 = arith.constant 0 : index
    %get3A_119 = vector.load %arg16[%get3A_117, %get3A_118] : memref<64x1xf32, #tpu.memory_space<vmem>>, vector<64x1xf32>
    %add3A_120 = vector.broadcast %get3A_119 : vector<64x1xf32> to vector<64x1024xf32>
    %add3A_121 = arith.addf %mul3A_116, %add3A_120 : vector<64x1024xf32>
    %max3A_122 = arith.constant 0.000000e+00 : f32
    %max3A_123 = vector.broadcast %max3A_122 : f32 to vector<64x1024xf32>
    %max3A_124 = arith.maximumf %add3A_121, %max3A_123 : vector<64x1024xf32>
    %get3A_125 = arith.constant 0 : index
    %get3A_126 = arith.constant 0 : index
    %get3A_127 = vector.load %arg17[%get3A_125, %get3A_126] : memref<64x1xf32, #tpu.memory_space<vmem>>, vector<64x1xf32>
    %dot_general3A_128 = arith.constant dense<0.000000e+00> : vector<1x1024xf32>
    %dot_general3A_129 = tpu.matmul %get3A_127, %max3A_124, %dot_general3A_128 {dimension_numbers = #tpu.dot_dimension_numbers<[0], [0], [1], [1], [0, 1, 1, 1], [], []>, transpose_lhs_hint = false} : vector<64x1xf32>, vector<64x1024xf32>, vector<1x1024xf32> -> vector<1x1024xf32>
    %get3A_130 = arith.constant 0 : index
    %get3A_131 = arith.constant 0 : index
    %get3A_132 = vector.load %arg18[%get3A_130, %get3A_131] : memref<1x1xf32, #tpu.memory_space<vmem>>, vector<1x1xf32>
    %get3A_133 = vector.extract %get3A_132[0, 0] : f32 from vector<1x1xf32>
    %add3A_134 = vector.broadcast %get3A_133 : f32 to vector<1x1024xf32>
    %add3A_135 = arith.addf %dot_general3A_129, %add3A_134 : vector<1x1024xf32>
    %add3A_136 = arith.addf %add3A_38, %mul3A_26 : vector<1x1024xf32>
    %add3A_137 = arith.addf %add3A_136, %add3A_135 : vector<1x1024xf32>
    %neg3A = arith.constant 0.000000e+00 : f32
    %neg3A_138 = vector.broadcast %neg3A : f32 to vector<1x1024xf32>
    %neg3A_139 = arith.subf %neg3A_138, %add3A_137 : vector<1x1024xf32>
    %exp3A = math.exp %neg3A_139 : vector<1x1024xf32>
    %add3A_140 = arith.constant 1.000000e+00 : f32
    %add3A_141 = vector.broadcast %add3A_140 : f32 to vector<1x1024xf32>
    %add3A_142 = arith.addf %add3A_141, %exp3A : vector<1x1024xf32>
    %div3A = arith.constant 1.000000e+00 : f32
    %div3A_143 = vector.broadcast %div3A : f32 to vector<1x1024xf32>
    %div3A_144 = arith.divf %div3A_143, %add3A_142 : vector<1x1024xf32>
    %swap3A = arith.constant 0 : index
    %swap3A_145 = arith.constant 0 : index
    %swap3A_146 = vector.load %arg19[%swap3A, %swap3A_145] : memref<1x1024xf32, #tpu.memory_space<vmem>>, vector<1x1024xf32>
    tpu.vector_store %arg19[%swap3A, %swap3A_145], %div3A_144 {strides = array<i32>} : memref<1x1024xf32, #tpu.memory_space<vmem>>, vector<1x1024xf32>,
    return
  }
  func.func @transform_0(%arg0: i32) -> (i32, i32) {
    %c0_i32 = arith.constant 0 : i32
    %c0_i32_0 = arith.constant 0 : i32
    return %c0_i32, %arg0 : i32, i32
  }
  func.func @transform_1(%arg0: i32) -> (i32, i32) {
    %c0_i32 = arith.constant 0 : i32
    %c0_i32_0 = arith.constant 0 : i32
    return %c0_i32, %arg0 : i32, i32
  }
  func.func @transform_2(%arg0: i32) -> (i32, i32) {
    %c0_i32 = arith.constant 0 : i32
    %c0_i32_0 = arith.constant 0 : i32
    return %c0_i32, %arg0 : i32, i32
  }
  func.func @transform_3(%arg0: i32) -> (i32, i32) {
    %c0_i32 = arith.constant 0 : i32
    %c0_i32_0 = arith.constant 0 : i32
    %c0_i32_1 = arith.constant 0 : i32
    return %c0_i32, %c0_i32_0 : i32, i32
  }
  func.func @transform_4(%arg0: i32) -> (i32, i32) {
    %c0_i32 = arith.constant 0 : i32
    %c0_i32_0 = arith.constant 0 : i32
    %c0_i32_1 = arith.constant 0 : i32
    return %c0_i32, %c0_i32_0 : i32, i32
  }
  func.func @transform_5(%arg0: i32) -> (i32, i32) {
    %c0_i32 = arith.constant 0 : i32
    %c0_i32_0 = arith.constant 0 : i32
    %c0_i32_1 = arith.constant 0 : i32
    return %c0_i32, %c0_i32_0 : i32, i32
  }
  func.func @transform_6(%arg0: i32) -> (i32, i32) {
    %c0_i32 = arith.constant 0 : i32
    %c0_i32_0 = arith.constant 0 : i32
    %c0_i32_1 = arith.constant 0 : i32
    return %c0_i32, %c0_i32_0 : i32, i32
  }
  func.func @transform_7(%arg0: i32) -> (i32, i32) {
    %c0_i32 = arith.constant 0 : i32
    %c0_i32_0 = arith.constant 0 : i32
    %c0_i32_1 = arith.constant 0 : i32
    return %c0_i32, %c0_i32_0 : i32, i32
  }
  func.func @transform_8(%arg0: i32) -> (i32, i32) {
    %c0_i32 = arith.constant 0 : i32
    %c0_i32_0 = arith.constant 0 : i32
    %c0_i32_1 = arith.constant 0 : i32
    return %c0_i32, %c0_i32_0 : i32, i32
  }
  func.func @transform_9(%arg0: i32) -> (i32, i32) {
    %c0_i32 = arith.constant 0 : i32
    %c0_i32_0 = arith.constant 0 : i32
    %c0_i32_1 = arith.constant 0 : i32
    return %c0_i32, %c0_i32_0 : i32, i32
  }
  func.func @transform_10(%arg0: i32) -> (i32, i32) {
    %c0_i32 = arith.constant 0 : i32
    %c0_i32_0 = arith.constant 0 : i32
    %c0_i32_1 = arith.constant 0 : i32
    return %c0_i32, %c0_i32_0 : i32, i32
  }
  func.func @transform_11(%arg0: i32) -> (i32, i32) {
    %c0_i32 = arith.constant 0 : i32
    %c0_i32_0 = arith.constant 0 : i32
    %c0_i32_1 = arith.constant 0 : i32
    return %c0_i32, %c0_i32_0 : i32, i32
  }
  func.func @transform_12(%arg0: i32) -> (i32, i32) {
    %c0_i32 = arith.constant 0 : i32
    %c0_i32_0 = arith.constant 0 : i32
    %c0_i32_1 = arith.constant 0 : i32
    return %c0_i32, %c0_i32_0 : i32, i32
  }
  func.func @transform_13(%arg0: i32) -> (i32, i32) {
    %c0_i32 = arith.constant 0 : i32
    %c0_i32_0 = arith.constant 0 : i32
    %c0_i32_1 = arith.constant 0 : i32
    return %c0_i32, %c0_i32_0 : i32, i32
  }
  func.func @transform_14(%arg0: i32) -> (i32, i32) {
    %c0_i32 = arith.constant 0 : i32
    %c0_i32_0 = arith.constant 0 : i32
    %c0_i32_1 = arith.constant 0 : i32
    return %c0_i32, %c0_i32_0 : i32, i32
  }
  func.func @transform_15(%arg0: i32) -> (i32, i32) {
    %c0_i32 = arith.constant 0 : i32
    %c0_i32_0 = arith.constant 0 : i32
    %c0_i32_1 = arith.constant 0 : i32
    return %c0_i32, %c0_i32_0 : i32, i32
  }
  func.func @transform_16(%arg0: i32) -> (i32, i32) {
    %c0_i32 = arith.constant 0 : i32
    %c0_i32_0 = arith.constant 0 : i32
    %c0_i32_1 = arith.constant 0 : i32
    return %c0_i32, %c0_i32_0 : i32, i32
  }
  func.func @transform_17(%arg0: i32) -> (i32, i32) {
    %c0_i32 = arith.constant 0 : i32
    %c0_i32_0 = arith.constant 0 : i32
    %c0_i32_1 = arith.constant 0 : i32
    return %c0_i32, %c0_i32_0 : i32, i32
  }
  func.func @transform_18(%arg0: i32) -> (i32, i32) {
    %c0_i32 = arith.constant 0 : i32
    %c0_i32_0 = arith.constant 0 : i32
    return %c0_i32, %arg0 : i32, i32
  }
}

</mosaic_0001>

<sc_bundles>
// kernel: kernel.4.cloned.1.call-start
scs
__scs_entry_jumppad:
0x0: {  	(pc) =	sbr.rel $0x88, $3  }
0x1: {  	(tag) =	ssettag $0x0;
	lr =	simm.s32 $0x1  }
0x2: {  	[smem:$0x3F8E] =	sst lr;
	_ =	strace $0xD0000000  }
0x3: {  	_ = 	snop  }
0x4: {  	_ = 	snop  }
0x5: {  	_ = 	snop  }
0x6: {  	_ = 	snop  }
0x7: {  	_ = 	snop  }
__scs_overlays_trampoline_lowered:
0x8: {  	[smem:$0x3F9D] =	sst s0  }
0x9: {  	[smem:$0x3F9E] =	sst s1  }
0xa: {  	[smem:$0x3F9F] =	sst s2  }
0xb: {  	[smem:$0x3FA0] =	sst s3  }
0xc: {  	[smem:$0x3FA1] =	sst s4  }
0xd: {  	[smem:$0x3FA2] =	sst s5  }
0xe: {  	[smem:$0x3FA3] =	sst s6  }
0xf: {  	[smem:$0x3FA4] =	sst s7  }
0x10: {  	[smem:$0x3FA5] =	sst s8  }
0x11: {  	[smem:$0x3FA6] =	sst s9;
	s0 =	simm.s32 @!p0 $0x0  }
0x12: {  	s1 =	sld [smem:$0x3F8C];
	s0 =	simm.s32 @p0 $0x1  }
0x13: {  	[smem:$0x3FA7] =	sst s0;
	s0 =	simm.s32 @!p1 $0x0  }
0x14: {  	s2 =	sld [smem:$0x3F8B];
	s0 =	simm.s32 @p1 $0x1  }
0x15: {  	[smem:$0x3FA8] =	sst s0;
	s0 =	simm.s32 @!p2 $0x0  }
0x16: {  	s3 =	sld [smem:$0x3FDB];
	s0 =	simm.s32 @p2 $0x1  }
0x17: {  	s4 =	simm.s32 $0x1BF5;
	[smem:$0x3FAA] =	sst s0  }
0x18: {  	s0 =	sld [smem:$0x3F8D];
	_ =	swait.ge [sflag:s4], $0x0  }
0x19: {  	s7 =	sld [smem:$0x3F8E]  }
0x1a: {  	s8 =	sadd.s32 $0xFFFFE003, lr  }
0x1b: {  	s9 =	sadd.s32 $0xFFFFFEF7, lr;
	s5 =	simm.s32 $0xFFFFFFFF;
	p2 =	slt.u32 s8, $0xFFFFF086  }
0x1c: {  	p1 =	slt.u32 s9, $0xF7A;
	s5 =	simm.s32 @!p2 $0x0  }
0x1d: {  	s5 =	simm.s32 @p1 $0x1;
	p0 =	seq.s32 s7, s2  }
0x1e: {  	s7 =	smul.u32 @!p0 $0xF7A, s2;
	p2 =	seq.s32 @!p0 s5, $0x0  }
0x1f: {  	s9 =	smul.u32 $0xF7A, s1;
	s8 =	simm.s32 @!p0 $0x1BF5;
	p2 =	por !p2, p0  }
0x20: {  	[sflag:s8] =	ssyncset.s32 @!p0 $0xFFFFF086;
	s6 =	sadd.s32 @!p0 s3, s7;
	s7 =	simm.s32 @!p0 $0x108  }
0x21: {  	s3 =	sadd.s32 s3, s9;
	s6 =	sadd.s32 @!p0 $0x88, s6;
	s7 =	simm.s32 @p2 $0x1082  }
0x22: {  	[simem:s7], [sflag:s8] =	dma.local @!p0 [hbm:s6], $0xF7A  }
0x23: {  	s9 =	sor.u32 $0xD0000000, s2;
	s6 =	simm.s32 $0x108;
	_ =	swait.ge @!p0 [sflag:s8], $0x0  }
0x24: {  	s3 =	sadd.s32 $0x88, s3;
	s6 =	simm.s32 @!p1 $0x1082;
	[sflag:s4] =	ssyncset.s32 $0xFFFFF086  }
0x25: {  	[simem:s6], [sflag:s4] =	dma.local [hbm:s3], $0xF7A  }
0x26: {  	[smem:$0x3F8E] =	sst s1;
	(tag) =	ssettag s2;
	_ =	strace s9  }
0x27: {  	s1 =	sld [smem:$0x3F9E]  }
0x28: {  	s2 =	sld [smem:$0x3F9F]  }
0x29: {  	s4 =	sld [smem:$0x3FA1]  }
0x2a: {  	p0 =	seq.s32 s5, $0x0;
	s5 =	sld [smem:$0x3FA2]  }
0x2b: {  	s6 =	sld [smem:$0x3FA3]  }
0x2c: {  	s7 =	sld [smem:$0x3FA4]  }
0x2d: {  	s3 =	simm.s32 $0x108;
	s8 =	sld [smem:$0x3FA5]  }
0x2e: {  	s3 =	simm.s32 @!p0 $0x1082;
	s9 =	sld [smem:$0x3FA6]  }
0x2f: {  	lr =	sadd.s32 s0, s3;
	s0 =	sld [smem:$0x3F9D]  }
0x30: {  	s3 =	sld [smem:$0x3FA0]  }
0x31: {  	[smem:$0x3FA9] =	sst s10  }
0x32: {  	s10 =	sld [smem:$0x3FA7];
	_ =	sdelay $0x3  }
0x33: {  	p0 =	seq.s32 s10, $0x1;
	s10 =	sld [smem:$0x3FA9];
	_ =	sdelay $0x3  }
0x34: {  	[smem:$0x3FA9] =	sst s10  }
0x35: {  	s10 =	sld [smem:$0x3FA8];
	_ =	sdelay $0x3  }
0x36: {  	p1 =	seq.s32 s10, $0x1;
	s10 =	sld [smem:$0x3FA9];
	_ =	sdelay $0x3  }
0x37: {  	[smem:$0x3FA9] =	sst s10  }
0x38: {  	s10 =	sld [smem:$0x3FAA]  }
0x39: {  	_ = 	snop;
	(pc) =	sbr.ind lr, $3  }
0x3a: {  	_ = 	snop  }
0x3b: {  	_ = 	snop  }
0x3c: {  	p2 =	seq.s32 s10, $0x1;
	s10 =	sld [smem:$0x3FA9]  }
0x3d: {  	_ =	shalt  }
0x3e: {  	_ =	shalt  }
0x3f: {  	_ =	shalt  }
0x40: {  	_ =	shalt  }
0x41: {  	_ =	shalt  }
0x42: {  	_ =	shalt  }
0x43: {  	_ =	shalt  }
0x44: {  	_ =	shalt  }
0x45: {  	_ =	shalt  }
0x46: {  	_ =	shalt  }
0x47: {  	_ =	shalt  }
0x48: {  	_ =	shalt  }
0x49: {  	_ =	shalt  }
0x4a: {  	_ =	shalt  }
0x4b: {  	_ =	shalt  }
0x4c: {  	_ =	shalt  }
0x4d: {  	_ =	shalt  }
0x4e: {  	_ =	shalt  }
0x4f: {  	_ =	shalt  }
0x50: {  	_ =	shalt  }
0x51: {  	_ =	shalt  }
0x52: {  	_ =	shalt  }
0x53: {  	_ =	shalt  }
0x54: {  	_ =	shalt  }
0x55: {  	_ =	shalt  }
0x56: {  	_ =	shalt  }
0x57: {  	_ =	shalt  }
0x58: {  	_ =	shalt  }
0x59: {  	_ =	shalt  }
0x5a: {  	_ =	shalt  }
0x5b: {  	_ =	shalt  }
0x5c: {  	_ =	shalt  }
0x5d: {  	_ =	shalt  }
0x5e: {  	_ =	shalt  }
0x5f: {  	_ =	shalt  }
0x60: {  	_ =	shalt  }
0x61: {  	_ =	shalt  }
0x62: {  	_ =	shalt  }
0x63: {  	_ =	shalt  }
0x64: {  	_ =	shalt  }
0x65: {  	_ =	shalt  }
0x66: {  	_ =	shalt  }
0x67: {  	_ =	shalt  }
0x68: {  	_ =	shalt  }
0x69: {  	_ =	shalt  }
0x6a: {  	_ =	shalt  }
0x6b: {  	_ =	shalt  }
0x6c: {  	_ =	shalt  }
0x6d: {  	_ =	shalt  }
0x6e: {  	_ =	shalt  }
0x6f: {  	_ =	shalt  }
0x70: {  	_ =	shalt  }
0x71: {  	_ =	shalt  }
0x72: {  	_ =	shalt  }
0x73: {  	_ =	shalt  }
0x74: {  	_ =	shalt  }
0x75: {  	_ =	shalt  }
0x76: {  	_ =	shalt  }
0x77: {  	_ =	shalt  }
0x78: {  	_ =	shalt  }
0x79: {  	_ =	shalt  }
0x7a: {  	_ =	shalt  }
0x7b: {  	_ =	shalt  }
0x7c: {  	_ =	shalt  }
0x7d: {  	_ =	shalt  }
0x7e: {  	_ =	shalt  }
0x7f: {  	_ =	shalt  }
0x80: {  	_ =	shalt  }
0x81: {  	_ =	shalt  }
0x82: {  	_ =	shalt  }
0x83: {  	_ =	shalt  }
0x84: {  	_ =	shalt  }
0x85: {  	_ =	shalt  }
0x86: {  	_ =	shalt  }
0x87: {  	_ =	shalt  }
.Lfunc_end0:
.L_simem_size_0:
called_computation_lowered:
.L_overlay_start_0:
0x88: {  	s2 =	sld [smem:$0x3FD9]  }
0x89: {  	s3 =	sld [smem:$0x3FFE];
	_ =	sdelay $0x1  }
0x8a: {  	s1 =	srdreg.scid  }
0x8b: {  	s0 =	sand.u32 $0x1, s1  }
0x8c: {  	s16 =	sshll.u32 s0, $0xA;
	s2 =	sadd.s32 s3, s2  }
0x8d: {  	s2 =	sadd.s32 s2, s16  }
0x8e: {  	[smem:$0x3FB5] =	sst s2  }
0x8f: {  	_ = 	snop  }
0x90: {  	(tm) =	ssettm $0x1  }
0x91: {  	s17 =	sld [smem:$0x3FFB];
	_ =	sdelay $0x3  }
0x92: {  	_ =	strace s17  }
0x93: {  	s2 =	sld [smem:$0x3FFC];
	_ =	sdelay $0x3  }
0x94: {  	_ =	strace s2  }
0x95: {  	s2 =	sld [smem:$0x3FFD];
	_ =	sdelay $0x3  }
0x96: {  	_ =	strace s2  }
0x97: {  	_ =	strace $0x8FFFFFFF  }
0x98: {  	s18 =	sld [smem:$0x3FDB];
	_ =	sdelay $0x1  }
0x99: {  	s19 =	simm.s32 $_scs_section_size  }
0x9a: {  	s4 =	simm.s32 $_size__tile_overlayer_lowered;
	s5 =	simm.s32 $_tile_overlayer_lowered  }
0x9b: {  	s22 =	simm.s32 $0x1BFF;
	s21 =	sshll.u32 s5, $0x1;
	s2 =	sadd.s32 s19, s18  }
0x9c: {  	s6 =	simm.s32 $0x0;
	s20 =	sshll.u32 s4, $0x1;
	s4 =	sadd.s32 s21, s2  }
0x9d: {  	[timem:s6], [sflag:s22] =	dma.local [hbm:s4], s20  }
0x9e: {  	_ =	swait.ge [sflag:s22], s20  }
0x9f: {  	s3 =	ssub.s32 $0x0, s20;
	[sflag:s22] =	ssyncset.done $0x0  }
0xa0: {  	[sflag:s22] =	ssyncadd.s32 s3;
	_ =	sdelay $0x1  }
0xa1: {  	s23 =	simm.s32 $0x1B8B  }
0xa2: {  	_ =	swait.ge [sflag:s23], $0x1  }
0xa3: {  	[sflag:s23] =	ssyncset.done $0x0  }
0xa4: {  	s25 =	simm.s32 $0x1B8E;
	s24 =	sld [smem:$0x3FFE];
	[sflag:s23] =	ssyncadd.s32 $0xFFFFFFFF  }
0xa5: {  	s26 =	simm.s32 $execute0_lowered;
	[smem:$0x3FD2] =	sst s25  }
0xa6: {  	s4 =	sshll.u32 s26, $0x1;
	_ =	strace $0x80000046;
	[dreg:$0x1] =	wrdreg $0xFFFFFFFF  }
0xa7: {  	s28 =	simm.s32 $_size_execute0_lowered;
	s2 =	sadd.s32 s2, s4;
	[dreg:$0x0] =	wrdreg $0x0  }
0xa8: {  	s4 =	sshll.u32 s28, $0x1;
	[dreg:$0x2] =	wrdreg s2  }
0xa9: {  	[dreg:$0x3] =	wrdreg s4  }
0xaa: {  	[dreg:$0x4] =	wrdreg $0xC0  }
0xab: {  	_ =	task [dreg:s6], $0x5FFFF  }
0xac: {  	[dreg:$0x1] =	wrdreg $0xFFFFFFFF  }
0xad: {  	[dreg:$0x0] =	wrdreg $0x60  }
0xae: {  	[dreg:$0x2] =	wrdreg s24  }
0xaf: {  	[dreg:$0x3] =	wrdreg $0x9  }
0xb0: {  	_ =	task.clear_ibuf [dreg:s6], $0x4FFFF;
	_ =	strace $0x90000046  }
0xb1: {  	s29 =	simm.s32 $0x9;
	_ =	strace $0x80000048  }
0xb2: {  	_ =	swait.ge [sflag:s29], $0x1  }
0xb3: {  	[sflag:s29] =	ssyncadd.s32 $0xFFFFFFFF  }
0xb4: {  	_ =	strace $0x90000048  }
0xb5: {  	_ =	sfence  }
0xb6: {  	s30 =	sld [smem:$0x0];
	_ =	sdelay $0x2  }
0xb7: {  	s31 =	sshll.u32 s1, $0xD;
	s1 =	sshrl.u32 s1, $0x2  }
0xb8: {  	s3 =	sand.u32 $0x4000, s31;
	s1 =	sadd.s32 s1, s30  }
0xb9: {  	s0 =	sor.u32 s3, s0;
	s1 =	sshll.u32 s1, $0x11  }
0xba: {  	s0 =	sor.u32 s1, s0  }
0xbb: {  	s0 =	sadd.s32 $0x8F2B, s0  }
0xbc: {  	[sflag:s0] =	ssyncadd.remote.s32 $0x1  }
0xbd: {  	_ =	sfence.sel $0xFFFF  }
0xbe: {  	[dreg:$0x0] =	wrdreg $0xFFFFFFFF;
	(pc) =	sbr.abs _section_cstart, $3  }
0xbf: {  	[dreg:$0x1] =	wrdreg $0xFFFFFFFF  }
0xc0: {  	_ =	task.clear_ibuf [dreg:s6], $0x2FFFF;
	_ =	strace $0x9FFFFFFF  }
0xc1: {  	(tm) =	ssettm $0x7FFFFFFF  }
tec
execute0_lowered:
.L_overlay_start_1:
0x0: {  	(tag) =	ssettag $0x1  }
0x1: {  	s1 =	srdreg.scid  }
0x2: {  	s0 =	stileid.u32;
	s7 =	rddreg [dreg:$0x0]  }
0x3: {  	s3 =	simm.s32 $0x0;
	s12 =	simm.s32 $0x4;
	s13 =	simm.s32 $0x2000  }
0x4: {  	s14 =	simm.s32 $0x80;
	s15 =	simm.s32 $0x1;
	s16 =	simm.s32 $0x2  }
0x5: {  	s17 =	simm.s32 $0x1CD00;
	s22 =	simm.s32 $0x2180;
	s23 =	simm.s32 $0x1CE80  }
0x6: {  	s24 =	simm.s32 $0x3;
	s1 =	sand.u32 $0x1, s1;
	s2 =	sshll.u32 s0, $0x1  }
0x7: {  	s25 =	simm.s32 $0x2D00;
	s26 =	simm.s32 $0x0;
	s6 =	sor.u32 s1, s2  }
0x8: {  	[smem:$0x7FF] =	sst s3;
	s5 =	sadd.s32 $0x2800, s7;
	s2 =	smul.u32 $0x1A, s6  }
0x9: {  	_ =	strace $0x80000047;
	s1 =	ssub.s32 $0x2, s1;
	s8 =	smul.u32 $0x3400, s6  }
0xa: {  	s10 =	smul.u32 $0x1A0, s6;
	s31 =	sshrl.u32 s1, $0x1;
	s4 =	sshrl.u32 s2, $0x5  }
0xb: {  	s6 =	sadd.s32 $0x9EDA00, s7;
	s1 =	ssub.s32 s1, s31;
	s4 =	smin.u32 s4, $0x18  }
0xc: {  	s11 =	sadd.s32 s8, s7;
	s10 =	sadd.s32 s10, s7;
	s9 =	sshll.u32 s4, $0x9  }
0xd: {  	s8 =	sadd.s32 $0xA3D000, s10;
	s10 =	sadd.s32 $0xAAB800, s10;
	s9 =	sadd.s32 s9, s7  }
0xe: {  	s7 =	sadd.s32 $0xA40400, s9;
	s9 =	sadd.s32 $0xA43800, s11;
	s11 =	smax.u32 s1, $0x1  }
.LBB2_1:
0xf: {  	[tilespmem:s3], [sflag:$0x4] =	stream.linear.gather [hbm4b:s7+s3], $0x2000, $0x38;
	[tilespmem:$0x1DA00] =	vst v63  }
0x10: {  	s1 =	sadd.s32 $0x0, s2;
	s29 =	simm.s32 $0x0;
	s30 =	sand.u32 $0xF00, s3  }
0x11: {  	p0 =	por $0x1, $0x1;
	_ =	swait.ge [sflag:s12], $0x2000;
	s28 =	sshrl.u32 s1, $0x5  }
0x12: {  	s29 =	sand.u32 $0x3FFFF000, s29;
	s1 =	smul.u32 $0x30D4, s1;
	[sflag:s12] =	ssyncset.done $0x0  }
0x13: {  	s21 =	sor.u32 $0x80, s30;
	s28 =	ssub.s32 s28, s4;
	[sflag:s12] =	ssyncadd.s32 $0xFFFFE000  }
0x14: {  	[tilespmem:s13], [sflag:$0x4] =	stream.linear.gather [hbm4b:s8+s3], $0xD00, $0x38;
	[tilespmem:$0x1DA00] =	vst v63  }
0x15: {  	s29 =	sadd.s32 $0x2D00, s29;
	s28 =	sshll.u32 s28, $0xE;
	_ =	swait.ge [sflag:s12], $0xD00  }
0x16: {  	s0 =	sadd.s32 s30, s29;
	s28 =	sshra.s32 s28, $0x2;
	[sflag:s12] =	ssyncset.done $0x0  }
0x17: {  	s1 =	sadd.s32 s5, s1;
	s31 =	sor.u32 s30, s28;
	[sflag:s12] =	ssyncadd.s32 $0xFFFFF300  }
0x18: {  	[tilespmem:s0], [sflag:$0x1] =	stream.indirect.gather [hbm4b:s1+s14], $0x1, s31, s14, $0xb8;
	[tilespmem:$0x1DA00] =	vst v63  }
0x19: {  	s28 =	sor.u32 s21, s28;
	s0 =	sadd.s32 s21, s29;
	s29 =	simm.s32 @!p0 $0x1  }
0x1a: {  	[tilespmem:s0], [sflag:$0x2] =	stream.indirect.gather [hbm4b:s1+s14], $0x1, s28, s14, $0xb8;
	[tilespmem:$0x1DA00] =	vst v63  }
0x1b: {  	_ =	swait.ge @!p0 [sflag:s29], $0x80  }
0x1c: {  	s30 =	simm.s32 $0x2;
	[sflag:s29] =	ssyncset.done @!p0 $0x0  }
0x1d: {  	s31 =	sadd.s32 $0x0, s2;
	s1 =	simm.s32 @!p0 $0x2;
	[sflag:s29] =	ssyncadd.s32 @!p0 $0xFFFFFF80  }
0x1e: {  	s28 =	simm.s32 $0x1;
	s29 =	simm.s32 $0x100;
	_ =	swait.ge @!p0 [sflag:s1], $0x80  }
.LBB2_2:
0x1f: {  	s0 =	sshrl.u32 s31, $0x5  }
0x20: {  	[sflag:s1] =	ssyncset.done @!p0 $0x0;
	s18 =	smov.u32 s30;
	s30 =	sadd.s32 $0x1, s30  }
0x21: {  	s19 =	sshll.u32 s28, $0x8;
	s0 =	ssub.s32 s0, s4;
	[sflag:s1] =	ssyncadd.s32 @!p0 $0xFFFFFF80  }
0x22: {  	s1 =	sand.u32 $0x3FFFF000, s19;
	s19 =	smul.u32 $0x30D4, s31;
	s0 =	sshll.u32 s0, $0xE  }
0x23: {  	s31 =	sand.u32 $0xF00, s29;
	s1 =	sadd.s32 $0x2D00, s1;
	s0 =	sshra.s32 s0, $0x2  }
0x24: {  	s21 =	sadd.s32 s31, s1;
	s19 =	sadd.s32 s5, s19;
	s20 =	sor.u32 s31, s0  }
0x25: {  	[tilespmem:s21], [sflag:$0x1] =	stream.indirect.gather [hbm4b:s19+s14], $0x1, s20, s14, $0xb8;
	[tilespmem:$0x1DA00] =	vst v63  }
0x26: {  	p1 =	sne.s32 s30, $0x1A0;
	p0 =	slt.u32 s28, $0x18;
	s20 =	sor.u32 $0x80, s31  }
0x27: {  	s0 =	sor.u32 s20, s0;
	s1 =	sadd.s32 s20, s1;
	s20 =	simm.s32 @!p0 $0x1  }
0x28: {  	[tilespmem:s1], [sflag:$0x2] =	stream.indirect.gather [hbm4b:s19+s14], $0x1, s0, s14, $0xb8;
	[tilespmem:$0x1DA00] =	vst v63  }
.Ltmp0:
0x29: {  	_ = 	snop;
	(pc) =	sbr.rel @p1 .LBB2_2-.Ltmp0, $4  }
0x2a: {  	s28 =	smov.u32 s18;
	_ =	swait.ge @!p0 [sflag:s20], $0x80  }
0x2b: {  	s1 =	simm.s32 @!p0 $0x2;
	[sflag:s20] =	ssyncset.done @!p0 $0x0  }
0x2c: {  	s0 =	sshrl.u32 s28, $0x4;
	[sflag:s20] =	ssyncadd.s32 @!p0 $0xFFFFFF80  }
0x2d: {  	s29 =	sadd.s32 $0x100, s29;
	s31 =	sadd.s32 s2, s0;
	_ =	swait.ge @!p0 [sflag:s1], $0x80  }
0x2e: {  	s0 =	sshrl.u32 s31, $0x5  }
0x2f: {  	[sflag:s1] =	ssyncset.done @!p0 $0x0;
	s18 =	sshll.u32 s28, $0x8;
	s31 =	smul.u32 $0x30D4, s31  }
0x30: {  	s19 =	sand.u32 $0xF00, s29;
	s0 =	ssub.s32 s0, s4;
	[sflag:s1] =	ssyncadd.s32 @!p0 $0xFFFFFF80  }
0x31: {  	s30 =	sand.u32 $0x3FFFF000, s18;
	p0 =	slt.u32 s28, $0x18;
	s0 =	sshll.u32 s0, $0xE  }
0x32: {  	s1 =	sadd.s32 $0x2D00, s30;
	s18 =	sadd.s32 s5, s31;
	s0 =	sshra.s32 s0, $0x2  }
0x33: {  	s21 =	sadd.s32 s19, s1;
	s20 =	sor.u32 s19, s0;
	s19 =	sor.u32 $0x80, s19  }
0x34: {  	[tilespmem:s21], [sflag:$0x1] =	stream.indirect.gather [hbm4b:s18+s14], $0x1, s20, s14, $0xb8;
	[tilespmem:$0x1DA00] =	vst v63  }
0x35: {  	s0 =	sor.u32 s19, s0;
	s1 =	sadd.s32 s19, s1;
	s19 =	simm.s32 @!p0 $0x1  }
0x36: {  	[tilespmem:s1], [sflag:$0x2] =	stream.indirect.gather [hbm4b:s18+s14], $0x1, s0, s14, $0xb8;
	[tilespmem:$0x1DA00] =	vst v63  }
0x37: {  	_ =	swait.ge @!p0 [sflag:s19], $0x80  }
0x38: {  	[sflag:s19] =	ssyncset.done @!p0 $0x0  }
0x39: {  	s0 =	simm.s32 @!p0 $0x2;
	[sflag:s19] =	ssyncadd.s32 @!p0 $0xFFFFFF80  }
0x3a: {  	_ =	swait.ge @!p0 [sflag:s0], $0x80  }
0x3b: {  	[sflag:s0] =	ssyncset.done @!p0 $0x0  }
0x3c: {  	[sflag:s0] =	ssyncadd.s32 @!p0 $0xFFFFFF80  }
0x3d: {  	_ =	swait.ge [sflag:s15], $0x80  }
0x3e: {  	[sflag:s15] =	ssyncset.done $0x0  }
0x3f: {  	[sflag:s15] =	ssyncadd.s32 $0xFFFFFF80  }
0x40: {  	_ =	swait.ge [sflag:s16], $0x80  }
0x41: {  	s1 =	simm.s32 $0x17;
	[sflag:s16] =	ssyncset.done $0x0  }
.LBB2_4:
0x42: {  	p0 =	sne.s32 s1, $0x1;
	s1 =	sadd.s32 $0xFFFFFFFF, s1;
	[sflag:s16] =	ssyncadd.s32 $0xFFFFFF80  }
.Ltmp1:
0x43: {  	_ =	swait.ge [sflag:s15], $0x80;
	(pc) =	sbr.rel @p0 .LBB2_4-.Ltmp1, $4  }
0x44: {  	[sflag:s15] =	ssyncset.done $0x0  }
0x45: {  	[sflag:s15] =	ssyncadd.s32 $0xFFFFFF80  }
0x46: {  	_ =	swait.ge [sflag:s16], $0x80  }
0x47: {  	[sflag:s16] =	ssyncset.done $0x0  }
0x48: {  	[sflag:s16] =	ssyncadd.s32 $0xFFFFFF80  }
0x49: {  	[tilespmem:s17], [sflag:$0x3] =	stream.indirect.gather [hbm4b:s6+s14], $0x1, s13, s14, $0xb8;
	[tilespmem:$0x1DA00] =	vst v63  }
0x4a: {  	s0 =	simm.s32 $0x2080;
	s1 =	simm.s32 $0x1CD80  }
0x4b: {  	[tilespmem:s1], [sflag:$0x3] =	stream.indirect.gather [hbm4b:s6+s14], $0x1, s0, s14, $0xb8;
	[tilespmem:$0x1DA00] =	vst v63  }
0x4c: {  	s28 =	simm.s32 $0x2100;
	s29 =	simm.s32 $0x1CE00  }
0x4d: {  	[tilespmem:s29], [sflag:$0x3] =	stream.indirect.gather [hbm4b:s6+s14], $0x1, s28, s14, $0xb8;
	[tilespmem:$0x1DA00] =	vst v63  }
0x4e: {  	_ = 	snop  }
0x4f: {  	[tilespmem:s23], [sflag:$0x3] =	stream.indirect.gather [hbm4b:s6+s14], $0x1, s22, s14, $0xb8;
	[tilespmem:$0x1DA00] =	vst v63  }
0x50: {  	s30 =	simm.s32 $0x1CF00;
	s31 =	simm.s32 $0x2200  }
0x51: {  	[tilespmem:s30], [sflag:$0x3] =	stream.indirect.gather [hbm4b:s6+s14], $0x1, s31, s14, $0xb8;
	[tilespmem:$0x1DA00] =	vst v63  }
0x52: {  	s1 =	simm.s32 $0xA00;
	_ =	swait.ge [sflag:s24], $0x80  }
.LBB2_6:
0x53: {  	s0 =	sshra.s32 s1, $0x2  }
0x54: {  	[sflag:s24] =	ssyncset.done $0x0;
	p0 =	sne.s32 s1, $0x3200;
	s18 =	sadd.s32 $0x1CD00, s0  }
.Ltmp2:
0x55: {  	s0 =	sadd.s32 $0x2000, s0;
	[sflag:s24] =	ssyncadd.s32 $0xFFFFFF80;
	(pc) =	sbr.rel @p0 .LBB2_6-.Ltmp2, $3  }
0x56: {  	[tilespmem:s18], [sflag:$0x3] =	stream.indirect.gather [hbm4b:s6+s14], $0x1, s0, s14, $0xb8;
	[tilespmem:$0x1DA00] =	vst v63  }
0x57: {  	s1 =	sadd.s32 $0x200, s1;
	_ =	sdelay $0x1  }
0x58: {  	_ =	swait.ge [sflag:s24], $0x80  }
0x59: {  	[sflag:s24] =	ssyncset.done $0x0  }
0x5a: {  	[sflag:s24] =	ssyncadd.s32 $0xFFFFFF80  }
0x5b: {  	_ =	swait.ge [sflag:s24], $0x80  }
0x5c: {  	[sflag:s24] =	ssyncset.done $0x0  }
0x5d: {  	[sflag:s24] =	ssyncadd.s32 $0xFFFFFF80  }
0x5e: {  	_ =	swait.ge [sflag:s24], $0x80  }
0x5f: {  	[sflag:s24] =	ssyncset.done $0x0  }
0x60: {  	[sflag:s24] =	ssyncadd.s32 $0xFFFFFF80  }
0x61: {  	_ =	swait.ge [sflag:s24], $0x80  }
0x62: {  	[sflag:s24] =	ssyncset.done $0x0  }
0x63: {  	[sflag:s24] =	ssyncadd.s32 $0xFFFFFF80  }
0x64: {  	_ =	swait.ge [sflag:s24], $0x80  }
0x65: {  	[sflag:s24] =	ssyncset.done $0x0  }
0x66: {  	[sflag:s24] =	ssyncadd.s32 $0xFFFFFF80  }
0x67: {  	[hbm4b:s9+s3] =	stream.linear.scatter [tilespmem:s25], [sflag:$0x4], $0x1A000, $0x38;
	[tilespmem:$0x1DA00] =	vst v63  }
0x68: {  	s26 =	sadd.s32 $0x1, s26;
	_ =	swait.ge [sflag:s12], $0x1A000  }
0x69: {  	p0 =	sne.s32 s26, s11;
	[sflag:s12] =	ssyncset.done $0x0  }
.Ltmp3:
0x6a: {  	[sflag:s12] =	ssyncadd.s32 $0xFFFE6000;
	(pc) =	sbr.rel @p0 .LBB2_1-.Ltmp3, $4  }
0x6b: {  	[hbm4b:s10+s3] =	stream.linear.scatter [tilespmem:s17], [sflag:$0x4], $0xD00, $0x38;
	[tilespmem:$0x1DA00] =	vst v63  }
0x6c: {  	_ =	swait.ge [sflag:s12], $0xD00  }
0x6d: {  	[sflag:s12] =	ssyncset.done $0x0  }
0x6e: {  	[sflag:s12] =	ssyncadd.s32 $0xFFFFF300  }
0x6f: {  	_ =	sfence.sel $0x180000  }
0x70: {  	[bflag:$0x0] =	sbarrier.arrive $0xFFFF  }
0x71: {  	_ =	strace $0x90000047  }
0x72: {  	s0 =	stileid.u32;
	[bflag:$0x2] =	sbarrier.arrive $0xFFFF  }
0x73: {  	p0 =	sne.s32 s0, $0x0;
	s0 =	rddreg [dreg:$0x1]  }
0x74: {  	s0 =	sadd.s32 @!p0 $0x100000, s0  }
0x75: {  	[sflag:s0] =	ssyncadd.tile.s32 @!p0 $0x1;
	_ =	shalt  }
.Lfunc_end2:
_tile_overlayer_lowered:
.L_overlay_start_2:
0x76: {  	(tag) =	ssettag $0x2  }
0x77: {  	s0 =	rddreg [dreg:$0x0];
	s2 =	stileid.u32  }
0x78: {  	s1 =	rddreg [dreg:$0x1];
	p0 =	sne.s32 s2, $0x0  }
0x79: {  	s3 =	rddreg [dreg:$0x2];
	[bflag:$0x3] =	sbarrier.arrive $0xFFFF;
	s2 =	simm.s32 @!p0 $0x1C04  }
0x7a: {  	[timem:s3], [sflag:s2] =	dma.local @!p0 [hbm:s0], s1  }
0x7b: {  	s0 =	simm.s32 @!p0 $0x4  }
0x7c: {  	_ =	swait.ge @!p0 [sflag:s0], s1  }
0x7d: {  	s1 =	ssub.s32 @!p0 $0x0, s1;
	[sflag:s0] =	ssyncset.done @!p0 $0x0  }
0x7e: {  	[sflag:s0] =	ssyncadd.s32 @!p0 s1  }
0x7f: {  	[bflag:$0x3] =	sbarrier.arrive $0xFFFF  }
0x80: {  	_ =	shalt  }

</sc_bundles>
